<compile_context>
chip_gen: v7x
topology: tpu7x:2x2x1
jax: 0.10.2.dev20260603
libtpu: 0.0.44.dev20260713+nightly
codegen_flags: <defaults>
</compile_context>

<pallas_src>
import jax
import jax.numpy as jnp
from jax import lax
from jax.experimental import pallas as pl
from jax.experimental.pallas import tpu as pltpu
from jax.experimental.pallas import tpu_sc as plsc

_B = 16384
_N = 1000000
_F = 32
_L = 16
_NC = 2
_NS = 16
_NW = _NC * _NS
_BPW = _B // _NW
_ICH = 128
_NCHUNK = _BPW // _ICH
_BROW = _L

_SCAN_BLK = 32768
_SCAN_GRID = (_N + _SCAN_BLK - 1) // _SCAN_BLK


def _dot_body(wt_ref, ht_ref, wb_ref, hb_ref, out_ref):
    out_ref[...] = (jnp.sum(wt_ref[...] * ht_ref[...], axis=0)
                    + wb_ref[...] + hb_ref[...])


_dot_scan = pl.pallas_call(
    _dot_body,
    out_shape=jax.ShapeDtypeStruct((_N,), jnp.float32),
    grid=(_SCAN_GRID,),
    in_specs=[
        pl.BlockSpec((_F, _SCAN_BLK), lambda i: (0, i)),
        pl.BlockSpec((_F, _SCAN_BLK), lambda i: (0, i)),
        pl.BlockSpec((_SCAN_BLK,), lambda i: (i,)),
        pl.BlockSpec((_SCAN_BLK,), lambda i: (i,)),
    ],
    out_specs=pl.BlockSpec((_SCAN_BLK,), lambda i: (i,)),
)

_mesh = plsc.VectorSubcoreMesh(core_axis_name="c", subcore_axis_name="s")

_SCRATCH = [
    pltpu.VMEM((_NCHUNK, _ICH), jnp.int32),
    pltpu.VMEM((_NCHUNK, _ICH), jnp.int32),
    pltpu.VMEM((_BPW, _BROW), jnp.float32),
    pltpu.VMEM((_BPW,), jnp.float32),
    pltpu.SemaphoreType.DMA,
]


def _pick_body(nodes_hbm, dt_hbm, out_hbm,
               idx_v, div_v, d_rows, out_v, sem):
    wid = lax.axis_index("s") * _NC + lax.axis_index("c")

    pltpu.sync_copy(nodes_hbm.at[pl.ds(wid * _NCHUNK, _NCHUNK)], idx_v)

    for k in range(_NCHUNK):
        for c in range(_ICH // _L):
            sl = pl.ds(c * _L, _L)
            div_v[k, sl] = lax.shift_right_logical(idx_v[k, sl], 4)

    copies = []
    for k in range(_NCHUNK):
        rows = pl.ds(k * _ICH, _ICH)
        copies.append(pltpu.async_copy(dt_hbm.at[div_v.at[k]],
                                       d_rows.at[rows], sem))
    for c in copies:
        c.wait()

    lane = lax.iota(jnp.int32, _L)
    gdn = lax.GatherDimensionNumbers(
        offset_dims=(), collapsed_slice_dims=(0,), start_index_map=(0,))

    def _permute(v, perm2d):
        return lax.gather(v, perm2d, gdn, slice_sizes=(1,),
                          mode=lax.GatherScatterMode.PROMISE_IN_BOUNDS)

    bcast = [jnp.full((_L, 1), j, jnp.int32) for j in range(_L)]
    zero = jnp.zeros((_L,), jnp.float32)

    def group_body(g, carry):
        rbase = g * _L
        nid = idx_v[g // (_ICH // _L), pl.ds((g % (_ICH // _L)) * _L, _L)]
        col = jnp.bitwise_and(nid, _BROW - 1)
        acc = zero
        for j in range(_L):
            srow = d_rows[rbase + j, :]
            colj = _permute(col, bcast[j])
            val = _permute(srow, colj[:, None])
            acc = jnp.where(lane == j, val, acc)
        out_v[pl.ds(rbase, _L)] = acc
        return carry

    lax.fori_loop(0, _BPW // _L, group_body, None)

    pltpu.sync_copy(out_v, out_hbm.at[pl.ds(wid * _BPW, _BPW)])


_pick_sc = pl.kernel(
    _pick_body,
    out_type=jax.ShapeDtypeStruct((_B,), jnp.float32),
    mesh=_mesh,
    compiler_params=pltpu.CompilerParams(use_tc_tiling_on_sc=False),
    scratch_types=_SCRATCH,
)


def kernel(nodes, W, H, w_bias, h_bias):
    dotall = _dot_scan(W.T, H.T, w_bias.reshape(-1), h_bias.reshape(-1))
    nodes2 = nodes.astype(jnp.int32).reshape(_NW * _NCHUNK, _ICH)
    return _pick_sc(nodes2, dotall.reshape(-1, _BROW))

# --- scband reference (transcript-rebuilt; emitter-appended) ---
"""Pipeline reference for scband-nmf-69406671504036 (READ-ONLY COPY).

The authoritative reference and input builder live on the scoring server;
editing this copy changes nothing except your own understanding.
"""

import jax, jax.numpy as jnp
import numpy as np

NUM_NODES = 1000000
NUM_FACTORS = 32
BATCH = 16384

def setup_inputs(seed: int = 0) -> dict:
    key = jax.random.key(seed)
    k1, k2, k3, k4, k5 = jax.random.split(key, 5)
    nodes = jax.random.randint(k1, (BATCH,), 0, NUM_NODES, dtype=jnp.int64 if jax.config.jax_enable_x64 else jnp.int32)
    W = jax.random.normal(k2, (NUM_NODES, NUM_FACTORS), dtype=jnp.float32)
    H = jax.random.normal(k3, (NUM_NODES, NUM_FACTORS), dtype=jnp.float32)
    w_bias = jax.random.normal(k4, (NUM_NODES, 1), dtype=jnp.float32)
    h_bias = jax.random.normal(k5, (NUM_NODES, 1), dtype=jnp.float32)
    return {"nodes": nodes, "W": W, "H": H, "w_bias": w_bias, "h_bias": h_bias}

def reference(nodes, W, H, w_bias, h_bias):
    # Embedding lookups (gather)
    wb = jnp.take(w_bias, nodes, axis=0)  # [B, 1]
    hb = jnp.take(h_bias, nodes, axis=0)  # [B, 1]
    w = jnp.take(W, nodes, axis=0)        # [B, F]
    h = jnp.take(H, nodes, axis=0)        # [B, F]
    pred = wb + hb + jnp.sum(w * h, axis=1, keepdims=True)  # [B, 1]
    return jnp.squeeze(pred)

if __name__ == "__main__":
    import jax
    _d = setup_inputs()
    print(jax.jit(kernel)(*tuple(_d.values())))

</pallas_src>

<mosaic_0001>
#map = affine_map<(d0, d1) -> (0, 0)>
#map1 = affine_map<(d0, d1) -> (0)>
module attributes {stable_mosaic.version = 14 : i64} {
  func.func @_pick_body(%arg0: i32, %arg1: i32, %arg2: memref<128x128xi32, #tpu.memory_space<hbm>>, %arg3: memref<62500x16xf32, #tpu.memory_space<hbm>>, %arg4: memref<16384xf32, #tpu.memory_space<hbm>>, %arg5: memref<4x128xi32, #tpu.memory_space<vmem>>, %arg6: memref<4x128xi32, #tpu.memory_space<vmem>>, %arg7: memref<512x16xf32, #tpu.memory_space<vmem>>, %arg8: memref<512xf32, #tpu.memory_space<vmem>>, %arg9: memref<!tpu.dma_semaphore, #tpu.memory_space<semaphore_mem>>) attributes {dimension_semantics = [#tpu.dimension_semantics<core_parallel>, #tpu.dimension_semantics<subcore_parallel>], iteration_bounds = array<i64: 2, 16>, scalar_prefetch = 0 : i64, scratch_operands = 5 : i64, tpu.core_type = #tpu.core_type<sc_vector_subcore>, window_params = [{transform_indices = #map}, {transform_indices = #map}, {transform_indices = #map1}]} {
    %mul3A = arith.constant 2 : i32
    %mul3A_0 = arith.muli %arg1, %mul3A : i32
    %add3A = arith.addi %mul3A_0, %arg0 : i32
    %mul3A_1 = arith.constant 4 : i32
    %mul3A_2 = arith.muli %add3A, %mul3A_1 : i32
    "tpu.region"() ({
      %run_scoped3A = tpu.sem_alloc : memref<!tpu.dma_semaphore, #tpu.memory_space<semaphore_mem>>
      %dma_start3A_565 = arith.constant 0 : i32
      %dma_start3A_566 = tpu.memref_slice %arg2[%mul3A_2, %dma_start3A_565] : memref<128x128xi32, #tpu.memory_space<hbm>> -> memref<4x128xi32, #tpu.memory_space<hbm>>
      %dma_start3A_567 = arith.constant 0 : i32
      %dma_start3A_568 = tpu.memref_slice %arg2[%mul3A_2, %dma_start3A_567] : memref<128x128xi32, #tpu.memory_space<hbm>> -> memref<4x128xi32, #tpu.memory_space<hbm>>
      tpu.enqueue_dma source(%dma_start3A_568 : memref<4x128xi32, #tpu.memory_space<hbm>>) target(%arg5 : memref<4x128xi32, #tpu.memory_space<vmem>>) target_semaphore(%run_scoped3A : memref<!tpu.dma_semaphore, #tpu.memory_space<semaphore_mem>>)
      %dma_wait3A_569 = arith.constant 0 : i32
      %dma_wait3A_570 = tpu.memref_slice %arg2[%mul3A_2, %dma_wait3A_569] : memref<128x128xi32, #tpu.memory_space<hbm>> -> memref<4x128xi32, #tpu.memory_space<hbm>>
      %dma_wait3A_571 = arith.constant 0 : i32
      %dma_wait3A_572 = tpu.memref_slice %arg2[%mul3A_2, %dma_wait3A_571] : memref<128x128xi32, #tpu.memory_space<hbm>> -> memref<4x128xi32, #tpu.memory_space<hbm>>
      tpu.wait_dma2 semaphore(%run_scoped3A : memref<!tpu.dma_semaphore, #tpu.memory_space<semaphore_mem>>) src(%dma_wait3A_572 : memref<4x128xi32, #tpu.memory_space<hbm>>) dst(%arg5 : memref<4x128xi32, #tpu.memory_space<vmem>>)
      tpu.yield
    }) : () -> ()
    %get3A = arith.constant 0 : i32
    %get3A_3 = arith.index_cast %get3A : i32 to index
    %get3A_4 = arith.constant 0 : index
    %get3A_5 = tpu.vector_load %arg5[%get3A_3, %get3A_4] {strides = array<i32>} : memref<4x128xi32, #tpu.memory_space<vmem>>, vector<1x16xi32>,
    %get3A_6 = vector.shape_cast %get3A_5 : vector<1x16xi32> to vector<16xi32>
    %shift_right_logical3A = arith.constant 4 : i32
    %shift_right_logical3A_7 = vector.broadcast %shift_right_logical3A : i32 to vector<16xi32>
    %shift_right_logical3A_8 = arith.shrui %get3A_6, %shift_right_logical3A_7 : vector<16xi32>
    %swap3A = arith.constant 0 : i32
    %swap3A_9 = arith.index_cast %swap3A : i32 to index
    %swap3A_10 = arith.constant 0 : index
    %swap3A_11 = tpu.vector_load %arg6[%swap3A_9, %swap3A_10] {strides = array<i32>} : memref<4x128xi32, #tpu.memory_space<vmem>>, vector<1x16xi32>,
    %swap3A_12 = vector.shape_cast %swap3A_11 : vector<1x16xi32> to vector<16xi32>
    %swap3A_13 = vector.shape_cast %shift_right_logical3A_8 : vector<16xi32> to vector<1x16xi32>
    tpu.vector_store %arg6[%swap3A_9, %swap3A_10], %swap3A_13 {strides = array<i32>} : memref<4x128xi32, #tpu.memory_space<vmem>>, vector<1x16xi32>,
    %get3A_14 = arith.constant 0 : i32
    %get3A_15 = arith.index_cast %get3A_14 : i32 to index
    %get3A_16 = arith.constant 16 : index
    %get3A_17 = tpu.vector_load %arg5[%get3A_15, %get3A_16] {strides = array<i32>} : memref<4x128xi32, #tpu.memory_space<vmem>>, vector<1x16xi32>,
    %get3A_18 = vector.shape_cast %get3A_17 : vector<1x16xi32> to vector<16xi32>
    %shift_right_logical3A_19 = arith.constant 4 : i32
    %shift_right_logical3A_20 = vector.broadcast %shift_right_logical3A_19 : i32 to vector<16xi32>
    %shift_right_logical3A_21 = arith.shrui %get3A_18, %shift_right_logical3A_20 : vector<16xi32>
    %swap3A_22 = arith.constant 0 : i32
    %swap3A_23 = arith.index_cast %swap3A_22 : i32 to index
    %swap3A_24 = arith.constant 16 : index
    %swap3A_25 = tpu.vector_load %arg6[%swap3A_23, %swap3A_24] {strides = array<i32>} : memref<4x128xi32, #tpu.memory_space<vmem>>, vector<1x16xi32>,
    %swap3A_26 = vector.shape_cast %swap3A_25 : vector<1x16xi32> to vector<16xi32>
    %swap3A_27 = vector.shape_cast %shift_right_logical3A_21 : vector<16xi32> to vector<1x16xi32>
    tpu.vector_store %arg6[%swap3A_23, %swap3A_24], %swap3A_27 {strides = array<i32>} : memref<4x128xi32, #tpu.memory_space<vmem>>, vector<1x16xi32>,
    %get3A_28 = arith.constant 0 : i32
    %get3A_29 = arith.index_cast %get3A_28 : i32 to index
    %get3A_30 = arith.constant 32 : index
    %get3A_31 = tpu.vector_load %arg5[%get3A_29, %get3A_30] {strides = array<i32>} : memref<4x128xi32, #tpu.memory_space<vmem>>, vector<1x16xi32>,
    %get3A_32 = vector.shape_cast %get3A_31 : vector<1x16xi32> to vector<16xi32>
    %shift_right_logical3A_33 = arith.constant 4 : i32
    %shift_right_logical3A_34 = vector.broadcast %shift_right_logical3A_33 : i32 to vector<16xi32>
    %shift_right_logical3A_35 = arith.shrui %get3A_32, %shift_right_logical3A_34 : vector<16xi32>
    %swap3A_36 = arith.constant 0 : i32
    %swap3A_37 = arith.index_cast %swap3A_36 : i32 to index
    %swap3A_38 = arith.constant 32 : index
    %swap3A_39 = tpu.vector_load %arg6[%swap3A_37, %swap3A_38] {strides = array<i32>} : memref<4x128xi32, #tpu.memory_space<vmem>>, vector<1x16xi32>,
    %swap3A_40 = vector.shape_cast %swap3A_39 : vector<1x16xi32> to vector<16xi32>
    %swap3A_41 = vector.shape_cast %shift_right_logical3A_35 : vector<16xi32> to vector<1x16xi32>
    tpu.vector_store %arg6[%swap3A_37, %swap3A_38], %swap3A_41 {strides = array<i32>} : memref<4x128xi32, #tpu.memory_space<vmem>>, vector<1x16xi32>,
    %get3A_42 = arith.constant 0 : i32
    %get3A_43 = arith.index_cast %get3A_42 : i32 to index
    %get3A_44 = arith.constant 48 : index
    %get3A_45 = tpu.vector_load %arg5[%get3A_43, %get3A_44] {strides = array<i32>} : memref<4x128xi32, #tpu.memory_space<vmem>>, vector<1x16xi32>,
    %get3A_46 = vector.shape_cast %get3A_45 : vector<1x16xi32> to vector<16xi32>
    %shift_right_logical3A_47 = arith.constant 4 : i32
    %shift_right_logical3A_48 = vector.broadcast %shift_right_logical3A_47 : i32 to vector<16xi32>
    %shift_right_logical3A_49 = arith.shrui %get3A_46, %shift_right_logical3A_48 : vector<16xi32>
    %swap3A_50 = arith.constant 0 : i32
    %swap3A_51 = arith.index_cast %swap3A_50 : i32 to index
    %swap3A_52 = arith.constant 48 : index
    %swap3A_53 = tpu.vector_load %arg6[%swap3A_51, %swap3A_52] {strides = array<i32>} : memref<4x128xi32, #tpu.memory_space<vmem>>, vector<1x16xi32>,
    %swap3A_54 = vector.shape_cast %swap3A_53 : vector<1x16xi32> to vector<16xi32>
    %swap3A_55 = vector.shape_cast %shift_right_logical3A_49 : vector<16xi32> to vector<1x16xi32>
    tpu.vector_store %arg6[%swap3A_51, %swap3A_52], %swap3A_55 {strides = array<i32>} : memref<4x128xi32, #tpu.memory_space<vmem>>, vector<1x16xi32>,
    %get3A_56 = arith.constant 0 : i32
    %get3A_57 = arith.index_cast %get3A_56 : i32 to index
    %get3A_58 = arith.constant 64 : index
    %get3A_59 = tpu.vector_load %arg5[%get3A_57, %get3A_58] {strides = array<i32>} : memref<4x128xi32, #tpu.memory_space<vmem>>, vector<1x16xi32>,
    %get3A_60 = vector.shape_cast %get3A_59 : vector<1x16xi32> to vector<16xi32>
    %shift_right_logical3A_61 = arith.constant 4 : i32
    %shift_right_logical3A_62 = vector.broadcast %shift_right_logical3A_61 : i32 to vector<16xi32>
    %shift_right_logical3A_63 = arith.shrui %get3A_60, %shift_right_logical3A_62 : vector<16xi32>
    %swap3A_64 = arith.constant 0 : i32
    %swap3A_65 = arith.index_cast %swap3A_64 : i32 to index
    %swap3A_66 = arith.constant 64 : index
    %swap3A_67 = tpu.vector_load %arg6[%swap3A_65, %swap3A_66] {strides = array<i32>} : memref<4x128xi32, #tpu.memory_space<vmem>>, vector<1x16xi32>,
    %swap3A_68 = vector.shape_cast %swap3A_67 : vector<1x16xi32> to vector<16xi32>
    %swap3A_69 = vector.shape_cast %shift_right_logical3A_63 : vector<16xi32> to vector<1x16xi32>
    tpu.vector_store %arg6[%swap3A_65, %swap3A_66], %swap3A_69 {strides = array<i32>} : memref<4x128xi32, #tpu.memory_space<vmem>>, vector<1x16xi32>,
    %get3A_70 = arith.constant 0 : i32
    %get3A_71 = arith.index_cast %get3A_70 : i32 to index
    %get3A_72 = arith.constant 80 : index
    %get3A_73 = tpu.vector_load %arg5[%get3A_71, %get3A_72] {strides = array<i32>} : memref<4x128xi32, #tpu.memory_space<vmem>>, vector<1x16xi32>,
    %get3A_74 = vector.shape_cast %get3A_73 : vector<1x16xi32> to vector<16xi32>
    %shift_right_logical3A_75 = arith.constant 4 : i32
    %shift_right_logical3A_76 = vector.broadcast %shift_right_logical3A_75 : i32 to vector<16xi32>
    %shift_right_logical3A_77 = arith.shrui %get3A_74, %shift_right_logical3A_76 : vector<16xi32>
    %swap3A_78 = arith.constant 0 : i32
    %swap3A_79 = arith.index_cast %swap3A_78 : i32 to index
    %swap3A_80 = arith.constant 80 : index
    %swap3A_81 = tpu.vector_load %arg6[%swap3A_79, %swap3A_80] {strides = array<i32>} : memref<4x128xi32, #tpu.memory_space<vmem>>, vector<1x16xi32>,
    %swap3A_82 = vector.shape_cast %swap3A_81 : vector<1x16xi32> to vector<16xi32>
    %swap3A_83 = vector.shape_cast %shift_right_logical3A_77 : vector<16xi32> to vector<1x16xi32>
    tpu.vector_store %arg6[%swap3A_79, %swap3A_80], %swap3A_83 {strides = array<i32>} : memref<4x128xi32, #tpu.memory_space<vmem>>, vector<1x16xi32>,
    %get3A_84 = arith.constant 0 : i32
    %get3A_85 = arith.index_cast %get3A_84 : i32 to index
    %get3A_86 = arith.constant 96 : index
    %get3A_87 = tpu.vector_load %arg5[%get3A_85, %get3A_86] {strides = array<i32>} : memref<4x128xi32, #tpu.memory_space<vmem>>, vector<1x16xi32>,
    %get3A_88 = vector.shape_cast %get3A_87 : vector<1x16xi32> to vector<16xi32>
    %shift_right_logical3A_89 = arith.constant 4 : i32
    %shift_right_logical3A_90 = vector.broadcast %shift_right_logical3A_89 : i32 to vector<16xi32>
    %shift_right_logical3A_91 = arith.shrui %get3A_88, %shift_right_logical3A_90 : vector<16xi32>
    %swap3A_92 = arith.constant 0 : i32
    %swap3A_93 = arith.index_cast %swap3A_92 : i32 to index
    %swap3A_94 = arith.constant 96 : index
    %swap3A_95 = tpu.vector_load %arg6[%swap3A_93, %swap3A_94] {strides = array<i32>} : memref<4x128xi32, #tpu.memory_space<vmem>>, vector<1x16xi32>,
    %swap3A_96 = vector.shape_cast %swap3A_95 : vector<1x16xi32> to vector<16xi32>
    %swap3A_97 = vector.shape_cast %shift_right_logical3A_91 : vector<16xi32> to vector<1x16xi32>
    tpu.vector_store %arg6[%swap3A_93, %swap3A_94], %swap3A_97 {strides = array<i32>} : memref<4x128xi32, #tpu.memory_space<vmem>>, vector<1x16xi32>,
    %get3A_98 = arith.constant 0 : i32
    %get3A_99 = arith.index_cast %get3A_98 : i32 to index
    %get3A_100 = arith.constant 112 : index
    %get3A_101 = tpu.vector_load %arg5[%get3A_99, %get3A_100] {strides = array<i32>} : memref<4x128xi32, #tpu.memory_space<vmem>>, vector<1x16xi32>,
    %get3A_102 = vector.shape_cast %get3A_101 : vector<1x16xi32> to vector<16xi32>
    %shift_right_logical3A_103 = arith.constant 4 : i32
    %shift_right_logical3A_104 = vector.broadcast %shift_right_logical3A_103 : i32 to vector<16xi32>
    %shift_right_logical3A_105 = arith.shrui %get3A_102, %shift_right_logical3A_104 : vector<16xi32>
    %swap3A_106 = arith.constant 0 : i32
    %swap3A_107 = arith.index_cast %swap3A_106 : i32 to index
    %swap3A_108 = arith.constant 112 : index
    %swap3A_109 = tpu.vector_load %arg6[%swap3A_107, %swap3A_108] {strides = array<i32>} : memref<4x128xi32, #tpu.memory_space<vmem>>, vector<1x16xi32>,
    %swap3A_110 = vector.shape_cast %swap3A_109 : vector<1x16xi32> to vector<16xi32>
    %swap3A_111 = vector.shape_cast %shift_right_logical3A_105 : vector<16xi32> to vector<1x16xi32>
    tpu.vector_store %arg6[%swap3A_107, %swap3A_108], %swap3A_111 {strides = array<i32>} : memref<4x128xi32, #tpu.memory_space<vmem>>, vector<1x16xi32>,
    %get3A_112 = arith.constant 1 : i32
    %get3A_113 = arith.index_cast %get3A_112 : i32 to index
    %get3A_114 = arith.constant 0 : index
    %get3A_115 = tpu.vector_load %arg5[%get3A_113, %get3A_114] {strides = array<i32>} : memref<4x128xi32, #tpu.memory_space<vmem>>, vector<1x16xi32>,
    %get3A_116 = vector.shape_cast %get3A_115 : vector<1x16xi32> to vector<16xi32>
    %shift_right_logical3A_117 = arith.constant 4 : i32
    %shift_right_logical3A_118 = vector.broadcast %shift_right_logical3A_117 : i32 to vector<16xi32>
    %shift_right_logical3A_119 = arith.shrui %get3A_116, %shift_right_logical3A_118 : vector<16xi32>
    %swap3A_120 = arith.constant 1 : i32
    %swap3A_121 = arith.index_cast %swap3A_120 : i32 to index
    %swap3A_122 = arith.constant 0 : index
    %swap3A_123 = tpu.vector_load %arg6[%swap3A_121, %swap3A_122] {strides = array<i32>} : memref<4x128xi32, #tpu.memory_space<vmem>>, vector<1x16xi32>,
    %swap3A_124 = vector.shape_cast %swap3A_123 : vector<1x16xi32> to vector<16xi32>
    %swap3A_125 = vector.shape_cast %shift_right_logical3A_119 : vector<16xi32> to vector<1x16xi32>
    tpu.vector_store %arg6[%swap3A_121, %swap3A_122], %swap3A_125 {strides = array<i32>} : memref<4x128xi32, #tpu.memory_space<vmem>>, vector<1x16xi32>,
    %get3A_126 = arith.constant 1 : i32
    %get3A_127 = arith.index_cast %get3A_126 : i32 to index
    %get3A_128 = arith.constant 16 : index
    %get3A_129 = tpu.vector_load %arg5[%get3A_127, %get3A_128] {strides = array<i32>} : memref<4x128xi32, #tpu.memory_space<vmem>>, vector<1x16xi32>,
    %get3A_130 = vector.shape_cast %get3A_129 : vector<1x16xi32> to vector<16xi32>
    %shift_right_logical3A_131 = arith.constant 4 : i32
    %shift_right_logical3A_132 = vector.broadcast %shift_right_logical3A_131 : i32 to vector<16xi32>
    %shift_right_logical3A_133 = arith.shrui %get3A_130, %shift_right_logical3A_132 : vector<16xi32>
    %swap3A_134 = arith.constant 1 : i32
    %swap3A_135 = arith.index_cast %swap3A_134 : i32 to index
    %swap3A_136 = arith.constant 16 : index
    %swap3A_137 = tpu.vector_load %arg6[%swap3A_135, %swap3A_136] {strides = array<i32>} : memref<4x128xi32, #tpu.memory_space<vmem>>, vector<1x16xi32>,
    %swap3A_138 = vector.shape_cast %swap3A_137 : vector<1x16xi32> to vector<16xi32>
    %swap3A_139 = vector.shape_cast %shift_right_logical3A_133 : vector<16xi32> to vector<1x16xi32>
    tpu.vector_store %arg6[%swap3A_135, %swap3A_136], %swap3A_139 {strides = array<i32>} : memref<4x128xi32, #tpu.memory_space<vmem>>, vector<1x16xi32>,
    %get3A_140 = arith.constant 1 : i32
    %get3A_141 = arith.index_cast %get3A_140 : i32 to index
    %get3A_142 = arith.constant 32 : index
    %get3A_143 = tpu.vector_load %arg5[%get3A_141, %get3A_142] {strides = array<i32>} : memref<4x128xi32, #tpu.memory_space<vmem>>, vector<1x16xi32>,
    %get3A_144 = vector.shape_cast %get3A_143 : vector<1x16xi32> to vector<16xi32>
    %shift_right_logical3A_145 = arith.constant 4 : i32
    %shift_right_logical3A_146 = vector.broadcast %shift_right_logical3A_145 : i32 to vector<16xi32>
    %shift_right_logical3A_147 = arith.shrui %get3A_144, %shift_right_logical3A_146 : vector<16xi32>
    %swap3A_148 = arith.constant 1 : i32
    %swap3A_149 = arith.index_cast %swap3A_148 : i32 to index
    %swap3A_150 = arith.constant 32 : index
    %swap3A_151 = tpu.vector_load %arg6[%swap3A_149, %swap3A_150] {strides = array<i32>} : memref<4x128xi32, #tpu.memory_space<vmem>>, vector<1x16xi32>,
    %swap3A_152 = vector.shape_cast %swap3A_151 : vector<1x16xi32> to vector<16xi32>
    %swap3A_153 = vector.shape_cast %shift_right_logical3A_147 : vector<16xi32> to vector<1x16xi32>
    tpu.vector_store %arg6[%swap3A_149, %swap3A_150], %swap3A_153 {strides = array<i32>} : memref<4x128xi32, #tpu.memory_space<vmem>>, vector<1x16xi32>,
    %get3A_154 = arith.constant 1 : i32
    %get3A_155 = arith.index_cast %get3A_154 : i32 to index
    %get3A_156 = arith.constant 48 : index
    %get3A_157 = tpu.vector_load %arg5[%get3A_155, %get3A_156] {strides = array<i32>} : memref<4x128xi32, #tpu.memory_space<vmem>>, vector<1x16xi32>,
    %get3A_158 = vector.shape_cast %get3A_157 : vector<1x16xi32> to vector<16xi32>
    %shift_right_logical3A_159 = arith.constant 4 : i32
    %shift_right_logical3A_160 = vector.broadcast %shift_right_logical3A_159 : i32 to vector<16xi32>
    %shift_right_logical3A_161 = arith.shrui %get3A_158, %shift_right_logical3A_160 : vector<16xi32>
    %swap3A_162 = arith.constant 1 : i32
    %swap3A_163 = arith.index_cast %swap3A_162 : i32 to index
    %swap3A_164 = arith.constant 48 : index
    %swap3A_165 = tpu.vector_load %arg6[%swap3A_163, %swap3A_164] {strides = array<i32>} : memref<4x128xi32, #tpu.memory_space<vmem>>, vector<1x16xi32>,
    %swap3A_166 = vector.shape_cast %swap3A_165 : vector<1x16xi32> to vector<16xi32>
    %swap3A_167 = vector.shape_cast %shift_right_logical3A_161 : vector<16xi32> to vector<1x16xi32>
    tpu.vector_store %arg6[%swap3A_163, %swap3A_164], %swap3A_167 {strides = array<i32>} : memref<4x128xi32, #tpu.memory_space<vmem>>, vector<1x16xi32>,
    %get3A_168 = arith.constant 1 : i32
    %get3A_169 = arith.index_cast %get3A_168 : i32 to index
    %get3A_170 = arith.constant 64 : index
    %get3A_171 = tpu.vector_load %arg5[%get3A_169, %get3A_170] {strides = array<i32>} : memref<4x128xi32, #tpu.memory_space<vmem>>, vector<1x16xi32>,
    %get3A_172 = vector.shape_cast %get3A_171 : vector<1x16xi32> to vector<16xi32>
    %shift_right_logical3A_173 = arith.constant 4 : i32
    %shift_right_logical3A_174 = vector.broadcast %shift_right_logical3A_173 : i32 to vector<16xi32>
    %shift_right_logical3A_175 = arith.shrui %get3A_172, %shift_right_logical3A_174 : vector<16xi32>
    %swap3A_176 = arith.constant 1 : i32
    %swap3A_177 = arith.index_cast %swap3A_176 : i32 to index
    %swap3A_178 = arith.constant 64 : index
    %swap3A_179 = tpu.vector_load %arg6[%swap3A_177, %swap3A_178] {strides = array<i32>} : memref<4x128xi32, #tpu.memory_space<vmem>>, vector<1x16xi32>,
    %swap3A_180 = vector.shape_cast %swap3A_179 : vector<1x16xi32> to vector<16xi32>
    %swap3A_181 = vector.shape_cast %shift_right_logical3A_175 : vector<16xi32> to vector<1x16xi32>
    tpu.vector_store %arg6[%swap3A_177, %swap3A_178], %swap3A_181 {strides = array<i32>} : memref<4x128xi32, #tpu.memory_space<vmem>>, vector<1x16xi32>,
    %get3A_182 = arith.constant 1 : i32
    %get3A_183 = arith.index_cast %get3A_182 : i32 to index
    %get3A_184 = arith.constant 80 : index
    %get3A_185 = tpu.vector_load %arg5[%get3A_183, %get3A_184] {strides = array<i32>} : memref<4x128xi32, #tpu.memory_space<vmem>>, vector<1x16xi32>,
    %get3A_186 = vector.shape_cast %get3A_185 : vector<1x16xi32> to vector<16xi32>
    %shift_right_logical3A_187 = arith.constant 4 : i32
    %shift_right_logical3A_188 = vector.broadcast %shift_right_logical3A_187 : i32 to vector<16xi32>
    %shift_right_logical3A_189 = arith.shrui %get3A_186, %shift_right_logical3A_188 : vector<16xi32>
    %swap3A_190 = arith.constant 1 : i32
    %swap3A_191 = arith.index_cast %swap3A_190 : i32 to index
    %swap3A_192 = arith.constant 80 : index
    %swap3A_193 = tpu.vector_load %arg6[%swap3A_191, %swap3A_192] {strides = array<i32>} : memref<4x128xi32, #tpu.memory_space<vmem>>, vector<1x16xi32>,
    %swap3A_194 = vector.shape_cast %swap3A_193 : vector<1x16xi32> to vector<16xi32>
    %swap3A_195 = vector.shape_cast %shift_right_logical3A_189 : vector<16xi32> to vector<1x16xi32>
    tpu.vector_store %arg6[%swap3A_191, %swap3A_192], %swap3A_195 {strides = array<i32>} : memref<4x128xi32, #tpu.memory_space<vmem>>, vector<1x16xi32>,
    %get3A_196 = arith.constant 1 : i32
    %get3A_197 = arith.index_cast %get3A_196 : i32 to index
    %get3A_198 = arith.constant 96 : index
    %get3A_199 = tpu.vector_load %arg5[%get3A_197, %get3A_198] {strides = array<i32>} : memref<4x128xi32, #tpu.memory_space<vmem>>, vector<1x16xi32>,
    %get3A_200 = vector.shape_cast %get3A_199 : vector<1x16xi32> to vector<16xi32>
    %shift_right_logical3A_201 = arith.constant 4 : i32
    %shift_right_logical3A_202 = vector.broadcast %shift_right_logical3A_201 : i32 to vector<16xi32>
    %shift_right_logical3A_203 = arith.shrui %get3A_200, %shift_right_logical3A_202 : vector<16xi32>
    %swap3A_204 = arith.constant 1 : i32
    %swap3A_205 = arith.index_cast %swap3A_204 : i32 to index
    %swap3A_206 = arith.constant 96 : index
    %swap3A_207 = tpu.vector_load %arg6[%swap3A_205, %swap3A_206] {strides = array<i32>} : memref<4x128xi32, #tpu.memory_space<vmem>>, vector<1x16xi32>,
    %swap3A_208 = vector.shape_cast %swap3A_207 : vector<1x16xi32> to vector<16xi32>
    %swap3A_209 = vector.shape_cast %shift_right_logical3A_203 : vector<16xi32> to vector<1x16xi32>
    tpu.vector_store %arg6[%swap3A_205, %swap3A_206], %swap3A_209 {strides = array<i32>} : memref<4x128xi32, #tpu.memory_space<vmem>>, vector<1x16xi32>,
    %get3A_210 = arith.constant 1 : i32
    %get3A_211 = arith.index_cast %get3A_210 : i32 to index
    %get3A_212 = arith.constant 112 : index
    %get3A_213 = tpu.vector_load %arg5[%get3A_211, %get3A_212] {strides = array<i32>} : memref<4x128xi32, #tpu.memory_space<vmem>>, vector<1x16xi32>,
    %get3A_214 = vector.shape_cast %get3A_213 : vector<1x16xi32> to vector<16xi32>
    %shift_right_logical3A_215 = arith.constant 4 : i32
    %shift_right_logical3A_216 = vector.broadcast %shift_right_logical3A_215 : i32 to vector<16xi32>
    %shift_right_logical3A_217 = arith.shrui %get3A_214, %shift_right_logical3A_216 : vector<16xi32>
    %swap3A_218 = arith.constant 1 : i32
    %swap3A_219 = arith.index_cast %swap3A_218 : i32 to index
    %swap3A_220 = arith.constant 112 : index
    %swap3A_221 = tpu.vector_load %arg6[%swap3A_219, %swap3A_220] {strides = array<i32>} : memref<4x128xi32, #tpu.memory_space<vmem>>, vector<1x16xi32>,
    %swap3A_222 = vector.shape_cast %swap3A_221 : vector<1x16xi32> to vector<16xi32>
    %swap3A_223 = vector.shape_cast %shift_right_logical3A_217 : vector<16xi32> to vector<1x16xi32>
    tpu.vector_store %arg6[%swap3A_219, %swap3A_220], %swap3A_223 {strides = array<i32>} : memref<4x128xi32, #tpu.memory_space<vmem>>, vector<1x16xi32>,
    %get3A_224 = arith.constant 2 : i32
    %get3A_225 = arith.index_cast %get3A_224 : i32 to index
    %get3A_226 = arith.constant 0 : index
    %get3A_227 = tpu.vector_load %arg5[%get3A_225, %get3A_226] {strides = array<i32>} : memref<4x128xi32, #tpu.memory_space<vmem>>, vector<1x16xi32>,
    %get3A_228 = vector.shape_cast %get3A_227 : vector<1x16xi32> to vector<16xi32>
    %shift_right_logical3A_229 = arith.constant 4 : i32
    %shift_right_logical3A_230 = vector.broadcast %shift_right_logical3A_229 : i32 to vector<16xi32>
    %shift_right_logical3A_231 = arith.shrui %get3A_228, %shift_right_logical3A_230 : vector<16xi32>
    %swap3A_232 = arith.constant 2 : i32
    %swap3A_233 = arith.index_cast %swap3A_232 : i32 to index
    %swap3A_234 = arith.constant 0 : index
    %swap3A_235 = tpu.vector_load %arg6[%swap3A_233, %swap3A_234] {strides = array<i32>} : memref<4x128xi32, #tpu.memory_space<vmem>>, vector<1x16xi32>,
    %swap3A_236 = vector.shape_cast %swap3A_235 : vector<1x16xi32> to vector<16xi32>
    %swap3A_237 = vector.shape_cast %shift_right_logical3A_231 : vector<16xi32> to vector<1x16xi32>
    tpu.vector_store %arg6[%swap3A_233, %swap3A_234], %swap3A_237 {strides = array<i32>} : memref<4x128xi32, #tpu.memory_space<vmem>>, vector<1x16xi32>,
    %get3A_238 = arith.constant 2 : i32
    %get3A_239 = arith.index_cast %get3A_238 : i32 to index
    %get3A_240 = arith.constant 16 : index
    %get3A_241 = tpu.vector_load %arg5[%get3A_239, %get3A_240] {strides = array<i32>} : memref<4x128xi32, #tpu.memory_space<vmem>>, vector<1x16xi32>,
    %get3A_242 = vector.shape_cast %get3A_241 : vector<1x16xi32> to vector<16xi32>
    %shift_right_logical3A_243 = arith.constant 4 : i32
    %shift_right_logical3A_244 = vector.broadcast %shift_right_logical3A_243 : i32 to vector<16xi32>
    %shift_right_logical3A_245 = arith.shrui %get3A_242, %shift_right_logical3A_244 : vector<16xi32>
    %swap3A_246 = arith.constant 2 : i32
    %swap3A_247 = arith.index_cast %swap3A_246 : i32 to index
    %swap3A_248 = arith.constant 16 : index
    %swap3A_249 = tpu.vector_load %arg6[%swap3A_247, %swap3A_248] {strides = array<i32>} : memref<4x128xi32, #tpu.memory_space<vmem>>, vector<1x16xi32>,
    %swap3A_250 = vector.shape_cast %swap3A_249 : vector<1x16xi32> to vector<16xi32>
    %swap3A_251 = vector.shape_cast %shift_right_logical3A_245 : vector<16xi32> to vector<1x16xi32>
    tpu.vector_store %arg6[%swap3A_247, %swap3A_248], %swap3A_251 {strides = array<i32>} : memref<4x128xi32, #tpu.memory_space<vmem>>, vector<1x16xi32>,
    %get3A_252 = arith.constant 2 : i32
    %get3A_253 = arith.index_cast %get3A_252 : i32 to index
    %get3A_254 = arith.constant 32 : index
    %get3A_255 = tpu.vector_load %arg5[%get3A_253, %get3A_254] {strides = array<i32>} : memref<4x128xi32, #tpu.memory_space<vmem>>, vector<1x16xi32>,
    %get3A_256 = vector.shape_cast %get3A_255 : vector<1x16xi32> to vector<16xi32>
    %shift_right_logical3A_257 = arith.constant 4 : i32
    %shift_right_logical3A_258 = vector.broadcast %shift_right_logical3A_257 : i32 to vector<16xi32>
    %shift_right_logical3A_259 = arith.shrui %get3A_256, %shift_right_logical3A_258 : vector<16xi32>
    %swap3A_260 = arith.constant 2 : i32
    %swap3A_261 = arith.index_cast %swap3A_260 : i32 to index
    %swap3A_262 = arith.constant 32 : index
    %swap3A_263 = tpu.vector_load %arg6[%swap3A_261, %swap3A_262] {strides = array<i32>} : memref<4x128xi32, #tpu.memory_space<vmem>>, vector<1x16xi32>,
    %swap3A_264 = vector.shape_cast %swap3A_263 : vector<1x16xi32> to vector<16xi32>
    %swap3A_265 = vector.shape_cast %shift_right_logical3A_259 : vector<16xi32> to vector<1x16xi32>
    tpu.vector_store %arg6[%swap3A_261, %swap3A_262], %swap3A_265 {strides = array<i32>} : memref<4x128xi32, #tpu.memory_space<vmem>>, vector<1x16xi32>,
    %get3A_266 = arith.constant 2 : i32
    %get3A_267 = arith.index_cast %get3A_266 : i32 to index
    %get3A_268 = arith.constant 48 : index
    %get3A_269 = tpu.vector_load %arg5[%get3A_267, %get3A_268] {strides = array<i32>} : memref<4x128xi32, #tpu.memory_space<vmem>>, vector<1x16xi32>,
    %get3A_270 = vector.shape_cast %get3A_269 : vector<1x16xi32> to vector<16xi32>
    %shift_right_logical3A_271 = arith.constant 4 : i32
    %shift_right_logical3A_272 = vector.broadcast %shift_right_logical3A_271 : i32 to vector<16xi32>
    %shift_right_logical3A_273 = arith.shrui %get3A_270, %shift_right_logical3A_272 : vector<16xi32>
    %swap3A_274 = arith.constant 2 : i32
    %swap3A_275 = arith.index_cast %swap3A_274 : i32 to index
    %swap3A_276 = arith.constant 48 : index
    %swap3A_277 = tpu.vector_load %arg6[%swap3A_275, %swap3A_276] {strides = array<i32>} : memref<4x128xi32, #tpu.memory_space<vmem>>, vector<1x16xi32>,
    %swap3A_278 = vector.shape_cast %swap3A_277 : vector<1x16xi32> to vector<16xi32>
    %swap3A_279 = vector.shape_cast %shift_right_logical3A_273 : vector<16xi32> to vector<1x16xi32>
    tpu.vector_store %arg6[%swap3A_275, %swap3A_276], %swap3A_279 {strides = array<i32>} : memref<4x128xi32, #tpu.memory_space<vmem>>, vector<1x16xi32>,
    %get3A_280 = arith.constant 2 : i32
    %get3A_281 = arith.index_cast %get3A_280 : i32 to index
    %get3A_282 = arith.constant 64 : index
    %get3A_283 = tpu.vector_load %arg5[%get3A_281, %get3A_282] {strides = array<i32>} : memref<4x128xi32, #tpu.memory_space<vmem>>, vector<1x16xi32>,
    %get3A_284 = vector.shape_cast %get3A_283 : vector<1x16xi32> to vector<16xi32>
    %shift_right_logical3A_285 = arith.constant 4 : i32
    %shift_right_logical3A_286 = vector.broadcast %shift_right_logical3A_285 : i32 to vector<16xi32>
    %shift_right_logical3A_287 = arith.shrui %get3A_284, %shift_right_logical3A_286 : vector<16xi32>
    %swap3A_288 = arith.constant 2 : i32
    %swap3A_289 = arith.index_cast %swap3A_288 : i32 to index
    %swap3A_290 = arith.constant 64 : index
    %swap3A_291 = tpu.vector_load %arg6[%swap3A_289, %swap3A_290] {strides = array<i32>} : memref<4x128xi32, #tpu.memory_space<vmem>>, vector<1x16xi32>,
    %swap3A_292 = vector.shape_cast %swap3A_291 : vector<1x16xi32> to vector<16xi32>
    %swap3A_293 = vector.shape_cast %shift_right_logical3A_287 : vector<16xi32> to vector<1x16xi32>
    tpu.vector_store %arg6[%swap3A_289, %swap3A_290], %swap3A_293 {strides = array<i32>} : memref<4x128xi32, #tpu.memory_space<vmem>>, vector<1x16xi32>,
    %get3A_294 = arith.constant 2 : i32
    %get3A_295 = arith.index_cast %get3A_294 : i32 to index
    %get3A_296 = arith.constant 80 : index
    %get3A_297 = tpu.vector_load %arg5[%get3A_295, %get3A_296] {strides = array<i32>} : memref<4x128xi32, #tpu.memory_space<vmem>>, vector<1x16xi32>,
    %get3A_298 = vector.shape_cast %get3A_297 : vector<1x16xi32> to vector<16xi32>
    %shift_right_logical3A_299 = arith.constant 4 : i32
    %shift_right_logical3A_300 = vector.broadcast %shift_right_logical3A_299 : i32 to vector<16xi32>
    %shift_right_logical3A_301 = arith.shrui %get3A_298, %shift_right_logical3A_300 : vector<16xi32>
    %swap3A_302 = arith.constant 2 : i32
    %swap3A_303 = arith.index_cast %swap3A_302 : i32 to index
    %swap3A_304 = arith.constant 80 : index
    %swap3A_305 = tpu.vector_load %arg6[%swap3A_303, %swap3A_304] {strides = array<i32>} : memref<4x128xi32, #tpu.memory_space<vmem>>, vector<1x16xi32>,
    %swap3A_306 = vector.shape_cast %swap3A_305 : vector<1x16xi32> to vector<16xi32>
    %swap3A_307 = vector.shape_cast %shift_right_logical3A_301 : vector<16xi32> to vector<1x16xi32>
    tpu.vector_store %arg6[%swap3A_303, %swap3A_304], %swap3A_307 {strides = array<i32>} : memref<4x128xi32, #tpu.memory_space<vmem>>, vector<1x16xi32>,
    %get3A_308 = arith.constant 2 : i32
    %get3A_309 = arith.index_cast %get3A_308 : i32 to index
    %get3A_310 = arith.constant 96 : index
    %get3A_311 = tpu.vector_load %arg5[%get3A_309, %get3A_310] {strides = array<i32>} : memref<4x128xi32, #tpu.memory_space<vmem>>, vector<1x16xi32>,
    %get3A_312 = vector.shape_cast %get3A_311 : vector<1x16xi32> to vector<16xi32>
    %shift_right_logical3A_313 = arith.constant 4 : i32
    %shift_right_logical3A_314 = vector.broadcast %shift_right_logical3A_313 : i32 to vector<16xi32>
    %shift_right_logical3A_315 = arith.shrui %get3A_312, %shift_right_logical3A_314 : vector<16xi32>
    %swap3A_316 = arith.constant 2 : i32
    %swap3A_317 = arith.index_cast %swap3A_316 : i32 to index
    %swap3A_318 = arith.constant 96 : index
    %swap3A_319 = tpu.vector_load %arg6[%swap3A_317, %swap3A_318] {strides = array<i32>} : memref<4x128xi32, #tpu.memory_space<vmem>>, vector<1x16xi32>,
    %swap3A_320 = vector.shape_cast %swap3A_319 : vector<1x16xi32> to vector<16xi32>
    %swap3A_321 = vector.shape_cast %shift_right_logical3A_315 : vector<16xi32> to vector<1x16xi32>
    tpu.vector_store %arg6[%swap3A_317, %swap3A_318], %swap3A_321 {strides = array<i32>} : memref<4x128xi32, #tpu.memory_space<vmem>>, vector<1x16xi32>,
    %get3A_322 = arith.constant 2 : i32
    %get3A_323 = arith.index_cast %get3A_322 : i32 to index
    %get3A_324 = arith.constant 112 : index
    %get3A_325 = tpu.vector_load %arg5[%get3A_323, %get3A_324] {strides = array<i32>} : memref<4x128xi32, #tpu.memory_space<vmem>>, vector<1x16xi32>,
    %get3A_326 = vector.shape_cast %get3A_325 : vector<1x16xi32> to vector<16xi32>
    %shift_right_logical3A_327 = arith.constant 4 : i32
    %shift_right_logical3A_328 = vector.broadcast %shift_right_logical3A_327 : i32 to vector<16xi32>
    %shift_right_logical3A_329 = arith.shrui %get3A_326, %shift_right_logical3A_328 : vector<16xi32>
    %swap3A_330 = arith.constant 2 : i32
    %swap3A_331 = arith.index_cast %swap3A_330 : i32 to index
    %swap3A_332 = arith.constant 112 : index
    %swap3A_333 = tpu.vector_load %arg6[%swap3A_331, %swap3A_332] {strides = array<i32>} : memref<4x128xi32, #tpu.memory_space<vmem>>, vector<1x16xi32>,
    %swap3A_334 = vector.shape_cast %swap3A_333 : vector<1x16xi32> to vector<16xi32>
    %swap3A_335 = vector.shape_cast %shift_right_logical3A_329 : vector<16xi32> to vector<1x16xi32>
    tpu.vector_store %arg6[%swap3A_331, %swap3A_332], %swap3A_335 {strides = array<i32>} : memref<4x128xi32, #tpu.memory_space<vmem>>, vector<1x16xi32>,
    %get3A_336 = arith.constant 3 : i32
    %get3A_337 = arith.index_cast %get3A_336 : i32 to index
    %get3A_338 = arith.constant 0 : index
    %get3A_339 = tpu.vector_load %arg5[%get3A_337, %get3A_338] {strides = array<i32>} : memref<4x128xi32, #tpu.memory_space<vmem>>, vector<1x16xi32>,
    %get3A_340 = vector.shape_cast %get3A_339 : vector<1x16xi32> to vector<16xi32>
    %shift_right_logical3A_341 = arith.constant 4 : i32
    %shift_right_logical3A_342 = vector.broadcast %shift_right_logical3A_341 : i32 to vector<16xi32>
    %shift_right_logical3A_343 = arith.shrui %get3A_340, %shift_right_logical3A_342 : vector<16xi32>
    %swap3A_344 = arith.constant 3 : i32
    %swap3A_345 = arith.index_cast %swap3A_344 : i32 to index
    %swap3A_346 = arith.constant 0 : index
    %swap3A_347 = tpu.vector_load %arg6[%swap3A_345, %swap3A_346] {strides = array<i32>} : memref<4x128xi32, #tpu.memory_space<vmem>>, vector<1x16xi32>,
    %swap3A_348 = vector.shape_cast %swap3A_347 : vector<1x16xi32> to vector<16xi32>
    %swap3A_349 = vector.shape_cast %shift_right_logical3A_343 : vector<16xi32> to vector<1x16xi32>
    tpu.vector_store %arg6[%swap3A_345, %swap3A_346], %swap3A_349 {strides = array<i32>} : memref<4x128xi32, #tpu.memory_space<vmem>>, vector<1x16xi32>,
    %get3A_350 = arith.constant 3 : i32
    %get3A_351 = arith.index_cast %get3A_350 : i32 to index
    %get3A_352 = arith.constant 16 : index
    %get3A_353 = tpu.vector_load %arg5[%get3A_351, %get3A_352] {strides = array<i32>} : memref<4x128xi32, #tpu.memory_space<vmem>>, vector<1x16xi32>,
    %get3A_354 = vector.shape_cast %get3A_353 : vector<1x16xi32> to vector<16xi32>
    %shift_right_logical3A_355 = arith.constant 4 : i32
    %shift_right_logical3A_356 = vector.broadcast %shift_right_logical3A_355 : i32 to vector<16xi32>
    %shift_right_logical3A_357 = arith.shrui %get3A_354, %shift_right_logical3A_356 : vector<16xi32>
    %swap3A_358 = arith.constant 3 : i32
    %swap3A_359 = arith.index_cast %swap3A_358 : i32 to index
    %swap3A_360 = arith.constant 16 : index
    %swap3A_361 = tpu.vector_load %arg6[%swap3A_359, %swap3A_360] {strides = array<i32>} : memref<4x128xi32, #tpu.memory_space<vmem>>, vector<1x16xi32>,
    %swap3A_362 = vector.shape_cast %swap3A_361 : vector<1x16xi32> to vector<16xi32>
    %swap3A_363 = vector.shape_cast %shift_right_logical3A_357 : vector<16xi32> to vector<1x16xi32>
    tpu.vector_store %arg6[%swap3A_359, %swap3A_360], %swap3A_363 {strides = array<i32>} : memref<4x128xi32, #tpu.memory_space<vmem>>, vector<1x16xi32>,
    %get3A_364 = arith.constant 3 : i32
    %get3A_365 = arith.index_cast %get3A_364 : i32 to index
    %get3A_366 = arith.constant 32 : index
    %get3A_367 = tpu.vector_load %arg5[%get3A_365, %get3A_366] {strides = array<i32>} : memref<4x128xi32, #tpu.memory_space<vmem>>, vector<1x16xi32>,
    %get3A_368 = vector.shape_cast %get3A_367 : vector<1x16xi32> to vector<16xi32>
    %shift_right_logical3A_369 = arith.constant 4 : i32
    %shift_right_logical3A_370 = vector.broadcast %shift_right_logical3A_369 : i32 to vector<16xi32>
    %shift_right_logical3A_371 = arith.shrui %get3A_368, %shift_right_logical3A_370 : vector<16xi32>
    %swap3A_372 = arith.constant 3 : i32
    %swap3A_373 = arith.index_cast %swap3A_372 : i32 to index
    %swap3A_374 = arith.constant 32 : index
    %swap3A_375 = tpu.vector_load %arg6[%swap3A_373, %swap3A_374] {strides = array<i32>} : memref<4x128xi32, #tpu.memory_space<vmem>>, vector<1x16xi32>,
    %swap3A_376 = vector.shape_cast %swap3A_375 : vector<1x16xi32> to vector<16xi32>
    %swap3A_377 = vector.shape_cast %shift_right_logical3A_371 : vector<16xi32> to vector<1x16xi32>
    tpu.vector_store %arg6[%swap3A_373, %swap3A_374], %swap3A_377 {strides = array<i32>} : memref<4x128xi32, #tpu.memory_space<vmem>>, vector<1x16xi32>,
    %get3A_378 = arith.constant 3 : i32
    %get3A_379 = arith.index_cast %get3A_378 : i32 to index
    %get3A_380 = arith.constant 48 : index
    %get3A_381 = tpu.vector_load %arg5[%get3A_379, %get3A_380] {strides = array<i32>} : memref<4x128xi32, #tpu.memory_space<vmem>>, vector<1x16xi32>,
    %get3A_382 = vector.shape_cast %get3A_381 : vector<1x16xi32> to vector<16xi32>
    %shift_right_logical3A_383 = arith.constant 4 : i32
    %shift_right_logical3A_384 = vector.broadcast %shift_right_logical3A_383 : i32 to vector<16xi32>
    %shift_right_logical3A_385 = arith.shrui %get3A_382, %shift_right_logical3A_384 : vector<16xi32>
    %swap3A_386 = arith.constant 3 : i32
    %swap3A_387 = arith.index_cast %swap3A_386 : i32 to index
    %swap3A_388 = arith.constant 48 : index
    %swap3A_389 = tpu.vector_load %arg6[%swap3A_387, %swap3A_388] {strides = array<i32>} : memref<4x128xi32, #tpu.memory_space<vmem>>, vector<1x16xi32>,
    %swap3A_390 = vector.shape_cast %swap3A_389 : vector<1x16xi32> to vector<16xi32>
    %swap3A_391 = vector.shape_cast %shift_right_logical3A_385 : vector<16xi32> to vector<1x16xi32>
    tpu.vector_store %arg6[%swap3A_387, %swap3A_388], %swap3A_391 {strides = array<i32>} : memref<4x128xi32, #tpu.memory_space<vmem>>, vector<1x16xi32>,
    %get3A_392 = arith.constant 3 : i32
    %get3A_393 = arith.index_cast %get3A_392 : i32 to index
    %get3A_394 = arith.constant 64 : index
    %get3A_395 = tpu.vector_load %arg5[%get3A_393, %get3A_394] {strides = array<i32>} : memref<4x128xi32, #tpu.memory_space<vmem>>, vector<1x16xi32>,
    %get3A_396 = vector.shape_cast %get3A_395 : vector<1x16xi32> to vector<16xi32>
    %shift_right_logical3A_397 = arith.constant 4 : i32
    %shift_right_logical3A_398 = vector.broadcast %shift_right_logical3A_397 : i32 to vector<16xi32>
    %shift_right_logical3A_399 = arith.shrui %get3A_396, %shift_right_logical3A_398 : vector<16xi32>
    %swap3A_400 = arith.constant 3 : i32
    %swap3A_401 = arith.index_cast %swap3A_400 : i32 to index
    %swap3A_402 = arith.constant 64 : index
    %swap3A_403 = tpu.vector_load %arg6[%swap3A_401, %swap3A_402] {strides = array<i32>} : memref<4x128xi32, #tpu.memory_space<vmem>>, vector<1x16xi32>,
    %swap3A_404 = vector.shape_cast %swap3A_403 : vector<1x16xi32> to vector<16xi32>
    %swap3A_405 = vector.shape_cast %shift_right_logical3A_399 : vector<16xi32> to vector<1x16xi32>
    tpu.vector_store %arg6[%swap3A_401, %swap3A_402], %swap3A_405 {strides = array<i32>} : memref<4x128xi32, #tpu.memory_space<vmem>>, vector<1x16xi32>,
    %get3A_406 = arith.constant 3 : i32
    %get3A_407 = arith.index_cast %get3A_406 : i32 to index
    %get3A_408 = arith.constant 80 : index
    %get3A_409 = tpu.vector_load %arg5[%get3A_407, %get3A_408] {strides = array<i32>} : memref<4x128xi32, #tpu.memory_space<vmem>>, vector<1x16xi32>,
    %get3A_410 = vector.shape_cast %get3A_409 : vector<1x16xi32> to vector<16xi32>
    %shift_right_logical3A_411 = arith.constant 4 : i32
    %shift_right_logical3A_412 = vector.broadcast %shift_right_logical3A_411 : i32 to vector<16xi32>
    %shift_right_logical3A_413 = arith.shrui %get3A_410, %shift_right_logical3A_412 : vector<16xi32>
    %swap3A_414 = arith.constant 3 : i32
    %swap3A_415 = arith.index_cast %swap3A_414 : i32 to index
    %swap3A_416 = arith.constant 80 : index
    %swap3A_417 = tpu.vector_load %arg6[%swap3A_415, %swap3A_416] {strides = array<i32>} : memref<4x128xi32, #tpu.memory_space<vmem>>, vector<1x16xi32>,
    %swap3A_418 = vector.shape_cast %swap3A_417 : vector<1x16xi32> to vector<16xi32>
    %swap3A_419 = vector.shape_cast %shift_right_logical3A_413 : vector<16xi32> to vector<1x16xi32>
    tpu.vector_store %arg6[%swap3A_415, %swap3A_416], %swap3A_419 {strides = array<i32>} : memref<4x128xi32, #tpu.memory_space<vmem>>, vector<1x16xi32>,
    %get3A_420 = arith.constant 3 : i32
    %get3A_421 = arith.index_cast %get3A_420 : i32 to index
    %get3A_422 = arith.constant 96 : index
    %get3A_423 = tpu.vector_load %arg5[%get3A_421, %get3A_422] {strides = array<i32>} : memref<4x128xi32, #tpu.memory_space<vmem>>, vector<1x16xi32>,
    %get3A_424 = vector.shape_cast %get3A_423 : vector<1x16xi32> to vector<16xi32>
    %shift_right_logical3A_425 = arith.constant 4 : i32
    %shift_right_logical3A_426 = vector.broadcast %shift_right_logical3A_425 : i32 to vector<16xi32>
    %shift_right_logical3A_427 = arith.shrui %get3A_424, %shift_right_logical3A_426 : vector<16xi32>
    %swap3A_428 = arith.constant 3 : i32
    %swap3A_429 = arith.index_cast %swap3A_428 : i32 to index
    %swap3A_430 = arith.constant 96 : index
    %swap3A_431 = tpu.vector_load %arg6[%swap3A_429, %swap3A_430] {strides = array<i32>} : memref<4x128xi32, #tpu.memory_space<vmem>>, vector<1x16xi32>,
    %swap3A_432 = vector.shape_cast %swap3A_431 : vector<1x16xi32> to vector<16xi32>
    %swap3A_433 = vector.shape_cast %shift_right_logical3A_427 : vector<16xi32> to vector<1x16xi32>
    tpu.vector_store %arg6[%swap3A_429, %swap3A_430], %swap3A_433 {strides = array<i32>} : memref<4x128xi32, #tpu.memory_space<vmem>>, vector<1x16xi32>,
    %get3A_434 = arith.constant 3 : i32
    %get3A_435 = arith.index_cast %get3A_434 : i32 to index
    %get3A_436 = arith.constant 112 : index
    %get3A_437 = tpu.vector_load %arg5[%get3A_435, %get3A_436] {strides = array<i32>} : memref<4x128xi32, #tpu.memory_space<vmem>>, vector<1x16xi32>,
    %get3A_438 = vector.shape_cast %get3A_437 : vector<1x16xi32> to vector<16xi32>
    %shift_right_logical3A_439 = arith.constant 4 : i32
    %shift_right_logical3A_440 = vector.broadcast %shift_right_logical3A_439 : i32 to vector<16xi32>
    %shift_right_logical3A_441 = arith.shrui %get3A_438, %shift_right_logical3A_440 : vector<16xi32>
    %swap3A_442 = arith.constant 3 : i32
    %swap3A_443 = arith.index_cast %swap3A_442 : i32 to index
    %swap3A_444 = arith.constant 112 : index
    %swap3A_445 = tpu.vector_load %arg6[%swap3A_443, %swap3A_444] {strides = array<i32>} : memref<4x128xi32, #tpu.memory_space<vmem>>, vector<1x16xi32>,
    %swap3A_446 = vector.shape_cast %swap3A_445 : vector<1x16xi32> to vector<16xi32>
    %swap3A_447 = vector.shape_cast %shift_right_logical3A_441 : vector<16xi32> to vector<1x16xi32>
    tpu.vector_store %arg6[%swap3A_443, %swap3A_444], %swap3A_447 {strides = array<i32>} : memref<4x128xi32, #tpu.memory_space<vmem>>, vector<1x16xi32>,
    %dma_start3A = arith.constant 0 : i32
    %dma_start3A_448 = arith.constant 0 : i32
    %dma_start3A_449 = arith.constant 0 : i32
    %dma_start3A_450 = tpu.memref_slice %arg7[%dma_start3A_448, %dma_start3A_449] : memref<512x16xf32, #tpu.memory_space<vmem>> -> memref<128x16xf32, #tpu.memory_space<vmem>>
    %dma_start3A_451 = arith.constant 0 : i32
    %dma_start3A_452 = tpu.memref_slice %arg6[%dma_start3A, %dma_start3A_451] : memref<4x128xi32, #tpu.memory_space<vmem>> -> memref<1x128xi32, #tpu.memory_space<vmem>>
    %dma_start3A_453 = tpu.memref_squeeze %dma_start3A_452 : memref<1x128xi32, #tpu.memory_space<vmem>> -> memref<128xi32, #tpu.memory_space<vmem>>
    %dma_start3A_454 = arith.constant 0 : i32
    %dma_start3A_455 = arith.constant 0 : i32
    %dma_start3A_456 = tpu.memref_slice %arg3[%dma_start3A_454, %dma_start3A_455] : memref<62500x16xf32, #tpu.memory_space<hbm>> -> memref<62500x16xf32, #tpu.memory_space<hbm>>
    tpu.enqueue_indirect_dma source(%dma_start3A_456 : memref<62500x16xf32, #tpu.memory_space<hbm>>) target(%dma_start3A_450 : memref<128x16xf32, #tpu.memory_space<vmem>>) offsets(%dma_start3A_453 : memref<128xi32, #tpu.memory_space<vmem>>) semaphore(%arg9 : memref<!tpu.dma_semaphore, #tpu.memory_space<semaphore_mem>>)
    %dma_start3A_457 = arith.constant 1 : i32
    %dma_start3A_458 = arith.constant 128 : i32
    %dma_start3A_459 = arith.constant 0 : i32
    %dma_start3A_460 = tpu.memref_slice %arg7[%dma_start3A_458, %dma_start3A_459] : memref<512x16xf32, #tpu.memory_space<vmem>> -> memref<128x16xf32, #tpu.memory_space<vmem>>
    %dma_start3A_461 = arith.constant 0 : i32
    %dma_start3A_462 = tpu.memref_slice %arg6[%dma_start3A_457, %dma_start3A_461] : memref<4x128xi32, #tpu.memory_space<vmem>> -> memref<1x128xi32, #tpu.memory_space<vmem>>
    %dma_start3A_463 = tpu.memref_squeeze %dma_start3A_462 : memref<1x128xi32, #tpu.memory_space<vmem>> -> memref<128xi32, #tpu.memory_space<vmem>>
    %dma_start3A_464 = arith.constant 0 : i32
    %dma_start3A_465 = arith.constant 0 : i32
    %dma_start3A_466 = tpu.memref_slice %arg3[%dma_start3A_464, %dma_start3A_465] : memref<62500x16xf32, #tpu.memory_space<hbm>> -> memref<62500x16xf32, #tpu.memory_space<hbm>>
    tpu.enqueue_indirect_dma source(%dma_start3A_466 : memref<62500x16xf32, #tpu.memory_space<hbm>>) target(%dma_start3A_460 : memref<128x16xf32, #tpu.memory_space<vmem>>) offsets(%dma_start3A_463 : memref<128xi32, #tpu.memory_space<vmem>>) semaphore(%arg9 : memref<!tpu.dma_semaphore, #tpu.memory_space<semaphore_mem>>)
    %dma_start3A_467 = arith.constant 2 : i32
    %dma_start3A_468 = arith.constant 256 : i32
    %dma_start3A_469 = arith.constant 0 : i32
    %dma_start3A_470 = tpu.memref_slice %arg7[%dma_start3A_468, %dma_start3A_469] : memref<512x16xf32, #tpu.memory_space<vmem>> -> memref<128x16xf32, #tpu.memory_space<vmem>>
    %dma_start3A_471 = arith.constant 0 : i32
    %dma_start3A_472 = tpu.memref_slice %arg6[%dma_start3A_467, %dma_start3A_471] : memref<4x128xi32, #tpu.memory_space<vmem>> -> memref<1x128xi32, #tpu.memory_space<vmem>>
    %dma_start3A_473 = tpu.memref_squeeze %dma_start3A_472 : memref<1x128xi32, #tpu.memory_space<vmem>> -> memref<128xi32, #tpu.memory_space<vmem>>
    %dma_start3A_474 = arith.constant 0 : i32
    %dma_start3A_475 = arith.constant 0 : i32
    %dma_start3A_476 = tpu.memref_slice %arg3[%dma_start3A_474, %dma_start3A_475] : memref<62500x16xf32, #tpu.memory_space<hbm>> -> memref<62500x16xf32, #tpu.memory_space<hbm>>
    tpu.enqueue_indirect_dma source(%dma_start3A_476 : memref<62500x16xf32, #tpu.memory_space<hbm>>) target(%dma_start3A_470 : memref<128x16xf32, #tpu.memory_space<vmem>>) offsets(%dma_start3A_473 : memref<128xi32, #tpu.memory_space<vmem>>) semaphore(%arg9 : memref<!tpu.dma_semaphore, #tpu.memory_space<semaphore_mem>>)
    %dma_start3A_477 = arith.constant 3 : i32
    %dma_start3A_478 = arith.constant 384 : i32
    %dma_start3A_479 = arith.constant 0 : i32
    %dma_start3A_480 = tpu.memref_slice %arg7[%dma_start3A_478, %dma_start3A_479] : memref<512x16xf32, #tpu.memory_space<vmem>> -> memref<128x16xf32, #tpu.memory_space<vmem>>
    %dma_start3A_481 = arith.constant 0 : i32
    %dma_start3A_482 = tpu.memref_slice %arg6[%dma_start3A_477, %dma_start3A_481] : memref<4x128xi32, #tpu.memory_space<vmem>> -> memref<1x128xi32, #tpu.memory_space<vmem>>
    %dma_start3A_483 = tpu.memref_squeeze %dma_start3A_482 : memref<1x128xi32, #tpu.memory_space<vmem>> -> memref<128xi32, #tpu.memory_space<vmem>>
    %dma_start3A_484 = arith.constant 0 : i32
    %dma_start3A_485 = arith.constant 0 : i32
    %dma_start3A_486 = tpu.memref_slice %arg3[%dma_start3A_484, %dma_start3A_485] : memref<62500x16xf32, #tpu.memory_space<hbm>> -> memref<62500x16xf32, #tpu.memory_space<hbm>>
    tpu.enqueue_indirect_dma source(%dma_start3A_486 : memref<62500x16xf32, #tpu.memory_space<hbm>>) target(%dma_start3A_480 : memref<128x16xf32, #tpu.memory_space<vmem>>) offsets(%dma_start3A_483 : memref<128xi32, #tpu.memory_space<vmem>>) semaphore(%arg9 : memref<!tpu.dma_semaphore, #tpu.memory_space<semaphore_mem>>)
    %dma_wait3A = arith.constant 0 : i32
    %dma_wait3A_487 = arith.constant 0 : i32
    %dma_wait3A_488 = arith.constant 0 : i32
    %dma_wait3A_489 = tpu.memref_slice %arg7[%dma_wait3A_487, %dma_wait3A_488] : memref<512x16xf32, #tpu.memory_space<vmem>> -> memref<128x16xf32, #tpu.memory_space<vmem>>
    %dma_wait3A_490 = arith.constant 0 : i32
    %dma_wait3A_491 = tpu.memref_slice %arg6[%dma_wait3A, %dma_wait3A_490] : memref<4x128xi32, #tpu.memory_space<vmem>> -> memref<1x128xi32, #tpu.memory_space<vmem>>
    %dma_wait3A_492 = tpu.memref_squeeze %dma_wait3A_491 : memref<1x128xi32, #tpu.memory_space<vmem>> -> memref<128xi32, #tpu.memory_space<vmem>>
    %dma_wait3A_493 = arith.constant 0 : i32
    %dma_wait3A_494 = arith.constant 0 : i32
    %dma_wait3A_495 = tpu.memref_slice %arg3[%dma_wait3A_493, %dma_wait3A_494] : memref<62500x16xf32, #tpu.memory_space<hbm>> -> memref<62500x16xf32, #tpu.memory_space<hbm>>
    tpu.wait_indirect_dma semaphore(%arg9 : memref<!tpu.dma_semaphore, #tpu.memory_space<semaphore_mem>>) src(%dma_wait3A_495 : memref<62500x16xf32, #tpu.memory_space<hbm>>) dst(%dma_wait3A_489 : memref<128x16xf32, #tpu.memory_space<vmem>>)
    %dma_wait3A_496 = arith.constant 1 : i32
    %dma_wait3A_497 = arith.constant 128 : i32
    %dma_wait3A_498 = arith.constant 0 : i32
    %dma_wait3A_499 = tpu.memref_slice %arg7[%dma_wait3A_497, %dma_wait3A_498] : memref<512x16xf32, #tpu.memory_space<vmem>> -> memref<128x16xf32, #tpu.memory_space<vmem>>
    %dma_wait3A_500 = arith.constant 0 : i32
    %dma_wait3A_501 = tpu.memref_slice %arg6[%dma_wait3A_496, %dma_wait3A_500] : memref<4x128xi32, #tpu.memory_space<vmem>> -> memref<1x128xi32, #tpu.memory_space<vmem>>
    %dma_wait3A_502 = tpu.memref_squeeze %dma_wait3A_501 : memref<1x128xi32, #tpu.memory_space<vmem>> -> memref<128xi32, #tpu.memory_space<vmem>>
    %dma_wait3A_503 = arith.constant 0 : i32
    %dma_wait3A_504 = arith.constant 0 : i32
    %dma_wait3A_505 = tpu.memref_slice %arg3[%dma_wait3A_503, %dma_wait3A_504] : memref<62500x16xf32, #tpu.memory_space<hbm>> -> memref<62500x16xf32, #tpu.memory_space<hbm>>
    tpu.wait_indirect_dma semaphore(%arg9 : memref<!tpu.dma_semaphore, #tpu.memory_space<semaphore_mem>>) src(%dma_wait3A_505 : memref<62500x16xf32, #tpu.memory_space<hbm>>) dst(%dma_wait3A_499 : memref<128x16xf32, #tpu.memory_space<vmem>>)
    %dma_wait3A_506 = arith.constant 2 : i32
    %dma_wait3A_507 = arith.constant 256 : i32
    %dma_wait3A_508 = arith.constant 0 : i32
    %dma_wait3A_509 = tpu.memref_slice %arg7[%dma_wait3A_507, %dma_wait3A_508] : memref<512x16xf32, #tpu.memory_space<vmem>> -> memref<128x16xf32, #tpu.memory_space<vmem>>
    %dma_wait3A_510 = arith.constant 0 : i32
    %dma_wait3A_511 = tpu.memref_slice %arg6[%dma_wait3A_506, %dma_wait3A_510] : memref<4x128xi32, #tpu.memory_space<vmem>> -> memref<1x128xi32, #tpu.memory_space<vmem>>
    %dma_wait3A_512 = tpu.memref_squeeze %dma_wait3A_511 : memref<1x128xi32, #tpu.memory_space<vmem>> -> memref<128xi32, #tpu.memory_space<vmem>>
    %dma_wait3A_513 = arith.constant 0 : i32
    %dma_wait3A_514 = arith.constant 0 : i32
    %dma_wait3A_515 = tpu.memref_slice %arg3[%dma_wait3A_513, %dma_wait3A_514] : memref<62500x16xf32, #tpu.memory_space<hbm>> -> memref<62500x16xf32, #tpu.memory_space<hbm>>
    tpu.wait_indirect_dma semaphore(%arg9 : memref<!tpu.dma_semaphore, #tpu.memory_space<semaphore_mem>>) src(%dma_wait3A_515 : memref<62500x16xf32, #tpu.memory_space<hbm>>) dst(%dma_wait3A_509 : memref<128x16xf32, #tpu.memory_space<vmem>>)
    %dma_wait3A_516 = arith.constant 3 : i32
    %dma_wait3A_517 = arith.constant 384 : i32
    %dma_wait3A_518 = arith.constant 0 : i32
    %dma_wait3A_519 = tpu.memref_slice %arg7[%dma_wait3A_517, %dma_wait3A_518] : memref<512x16xf32, #tpu.memory_space<vmem>> -> memref<128x16xf32, #tpu.memory_space<vmem>>
    %dma_wait3A_520 = arith.constant 0 : i32
    %dma_wait3A_521 = tpu.memref_slice %arg6[%dma_wait3A_516, %dma_wait3A_520] : memref<4x128xi32, #tpu.memory_space<vmem>> -> memref<1x128xi32, #tpu.memory_space<vmem>>
    %dma_wait3A_522 = tpu.memref_squeeze %dma_wait3A_521 : memref<1x128xi32, #tpu.memory_space<vmem>> -> memref<128xi32, #tpu.memory_space<vmem>>
    %dma_wait3A_523 = arith.constant 0 : i32
    %dma_wait3A_524 = arith.constant 0 : i32
    %dma_wait3A_525 = tpu.memref_slice %arg3[%dma_wait3A_523, %dma_wait3A_524] : memref<62500x16xf32, #tpu.memory_space<hbm>> -> memref<62500x16xf32, #tpu.memory_space<hbm>>
    tpu.wait_indirect_dma semaphore(%arg9 : memref<!tpu.dma_semaphore, #tpu.memory_space<semaphore_mem>>) src(%dma_wait3A_525 : memref<62500x16xf32, #tpu.memory_space<hbm>>) dst(%dma_wait3A_519 : memref<128x16xf32, #tpu.memory_space<vmem>>)
    %iota3A = tpu.iota {dimensions = array<i32: 0>} : vector<16xi32>
    %broadcast_in_dim3A = arith.constant 0 : i32
    %broadcast_in_dim3A_526 = vector.broadcast %broadcast_in_dim3A : i32 to vector<16x1xi32>
    %broadcast_in_dim3A_527 = arith.constant 1 : i32
    %broadcast_in_dim3A_528 = vector.broadcast %broadcast_in_dim3A_527 : i32 to vector<16x1xi32>
    %broadcast_in_dim3A_529 = arith.constant 2 : i32
    %broadcast_in_dim3A_530 = vector.broadcast %broadcast_in_dim3A_529 : i32 to vector<16x1xi32>
    %broadcast_in_dim3A_531 = arith.constant 3 : i32
    %broadcast_in_dim3A_532 = vector.broadcast %broadcast_in_dim3A_531 : i32 to vector<16x1xi32>
    %broadcast_in_dim3A_533 = arith.constant 4 : i32
    %broadcast_in_dim3A_534 = vector.broadcast %broadcast_in_dim3A_533 : i32 to vector<16x1xi32>
    %broadcast_in_dim3A_535 = arith.constant 5 : i32
    %broadcast_in_dim3A_536 = vector.broadcast %broadcast_in_dim3A_535 : i32 to vector<16x1xi32>
    %broadcast_in_dim3A_537 = arith.constant 6 : i32
    %broadcast_in_dim3A_538 = vector.broadcast %broadcast_in_dim3A_537 : i32 to vector<16x1xi32>
    %broadcast_in_dim3A_539 = arith.constant 7 : i32
    %broadcast_in_dim3A_540 = vector.broadcast %broadcast_in_dim3A_539 : i32 to vector<16x1xi32>
    %broadcast_in_dim3A_541 = arith.constant 8 : i32
    %broadcast_in_dim3A_542 = vector.broadcast %broadcast_in_dim3A_541 : i32 to vector<16x1xi32>
    %broadcast_in_dim3A_543 = arith.constant 9 : i32
    %broadcast_in_dim3A_544 = vector.broadcast %broadcast_in_dim3A_543 : i32 to vector<16x1xi32>
    %broadcast_in_dim3A_545 = arith.constant 10 : i32
    %broadcast_in_dim3A_546 = vector.broadcast %broadcast_in_dim3A_545 : i32 to vector<16x1xi32>
    %broadcast_in_dim3A_547 = arith.constant 11 : i32
    %broadcast_in_dim3A_548 = vector.broadcast %broadcast_in_dim3A_547 : i32 to vector<16x1xi32>
    %broadcast_in_dim3A_549 = arith.constant 12 : i32
    %broadcast_in_dim3A_550 = vector.broadcast %broadcast_in_dim3A_549 : i32 to vector<16x1xi32>
    %broadcast_in_dim3A_551 = arith.constant 13 : i32
    %broadcast_in_dim3A_552 = vector.broadcast %broadcast_in_dim3A_551 : i32 to vector<16x1xi32>
    %broadcast_in_dim3A_553 = arith.constant 14 : i32
    %broadcast_in_dim3A_554 = vector.broadcast %broadcast_in_dim3A_553 : i32 to vector<16x1xi32>
    %broadcast_in_dim3A_555 = arith.constant 15 : i32
    %broadcast_in_dim3A_556 = vector.broadcast %broadcast_in_dim3A_555 : i32 to vector<16x1xi32>
    %broadcast_in_dim3A_557 = arith.constant 0.000000e+00 : f32
    %broadcast_in_dim3A_558 = vector.broadcast %broadcast_in_dim3A_557 : f32 to vector<16xf32>
    %scan3A = arith.constant 0 : i32
    %scan3A_559 = arith.constant 32 : i32
    %scan3A_560 = arith.addi %scan3A, %scan3A_559 : i32
    %scan3A_561 = arith.constant 1 : i32
    scf.for %scan3A_565 = %scan3A to %scan3A_560 step %scan3A_561  : i32 {
      %mul3A_566 = arith.constant 16 : i32
      %mul3A_567 = arith.muli %scan3A_565, %mul3A_566 : i32
      %jit3A = arith.constant 8 : i32
      %div3A = arith.divsi %scan3A_565, %jit3A : i32
      %sign3A = arith.constant 0 : i32
      %sign3A_568 = arith.cmpi sgt, %scan3A_565, %sign3A : i32
      %sign3A_569 = arith.extui %sign3A_568 : i1 to i32
      %sign3A_570 = arith.constant 0 : i32
      %sign3A_571 = arith.cmpi slt, %scan3A_565, %sign3A_570 : i32
      %sign3A_572 = arith.extui %sign3A_571 : i1 to i32
      %sign3A_573 = arith.subi %sign3A_569, %sign3A_572 : i32
      %sign3A_574 = arith.constant 0 : i32
      %sign3A_575 = arith.cmpi sgt, %jit3A, %sign3A_574 : i32
      %sign3A_576 = arith.extui %sign3A_575 : i1 to i32
      %sign3A_577 = arith.constant 0 : i32
      %sign3A_578 = arith.cmpi slt, %jit3A, %sign3A_577 : i32
      %sign3A_579 = arith.extui %sign3A_578 : i1 to i32
      %sign3A_580 = arith.subi %sign3A_576, %sign3A_579 : i32
      %ne3A = arith.cmpi ne, %sign3A_573, %sign3A_580 : i32
      %rem3A = arith.remsi %scan3A_565, %jit3A : i32
      %ne3A_581 = arith.constant 0 : i32
      %ne3A_582 = arith.cmpi ne, %rem3A, %ne3A_581 : i32
      %and3A = arith.andi %ne3A, %ne3A_582 : i1
      %sub3A = arith.constant 1 : i32
      %sub3A_583 = arith.subi %div3A, %sub3A : i32
      %select_n3A = arith.select %and3A, %sub3A_583, %div3A : i32
      %jit3A_584 = arith.constant 8 : i32
      %eq3A = arith.constant 0 : i32
      %eq3A_585 = arith.cmpi eq, %jit3A_584, %eq3A : i32
      %jit3A_586 = arith.constant 1 : i32
      %select_n3A_587 = arith.select %eq3A_585, %jit3A_586, %jit3A_584 : i32
      %rem3A_588 = arith.remsi %scan3A_565, %select_n3A_587 : i32
      %ne3A_589 = arith.constant 0 : i32
      %ne3A_590 = arith.cmpi ne, %rem3A_588, %ne3A_589 : i32
      %lt3A = arith.constant 0 : i32
      %lt3A_591 = arith.cmpi slt, %rem3A_588, %lt3A : i32
      %lt3A_592 = arith.constant 0 : i32
      %lt3A_593 = arith.cmpi slt, %select_n3A_587, %lt3A_592 : i32
      %ne3A_594 = arith.xori %lt3A_591, %lt3A_593 : i1
      %and3A_595 = arith.andi %ne3A_594, %ne3A_590 : i1
      %add3A_596 = arith.addi %rem3A_588, %select_n3A_587 : i32
      %select_n3A_597 = arith.select %and3A_595, %add3A_596, %rem3A_588 : i32
      %mul3A_598 = arith.constant 16 : i32
      %mul3A_599 = arith.muli %select_n3A_597, %mul3A_598 : i32
      %get3A_600 = arith.index_cast %select_n3A : i32 to index
      %get3A_601 = arith.index_cast %mul3A_599 : i32 to index
      %get3A_602 = tpu.vector_load %arg5[%get3A_600, %get3A_601] {strides = array<i32>} : memref<4x128xi32, #tpu.memory_space<vmem>>, vector<1x16xi32>,
      %get3A_603 = vector.shape_cast %get3A_602 : vector<1x16xi32> to vector<16xi32>
      %and3A_604 = arith.constant 15 : i32
      %and3A_605 = vector.broadcast %and3A_604 : i32 to vector<16xi32>
      %and3A_606 = arith.andi %get3A_603, %and3A_605 : vector<16xi32>
      %add3A_607 = arith.constant 0 : i32
      %add3A_608 = arith.addi %mul3A_567, %add3A_607 : i32
      %get3A_609 = arith.index_cast %add3A_608 : i32 to index
      %get3A_610 = arith.constant 0 : index
      %get3A_611 = tpu.vector_load %arg7[%get3A_609, %get3A_610] {strides = array<i32>} : memref<512x16xf32, #tpu.memory_space<vmem>>, vector<1x16xf32>,
      %get3A_612 = vector.shape_cast %get3A_611 : vector<1x16xf32> to vector<16xf32>
      %gather3A = vector.shape_cast %broadcast_in_dim3A_526 : vector<16x1xi32> to vector<16xi32>
      %gather3A_613 = tpu.dynamic_gather %and3A_606[%gather3A] in [0] : vector<16xi32>, vector<16xi32> -> vector<16xi32>
      %broadcast_in_dim3A_614 = vector.shape_cast %gather3A_613 : vector<16xi32> to vector<16x1xi32>
      %gather3A_615 = vector.shape_cast %broadcast_in_dim3A_614 : vector<16x1xi32> to vector<16xi32>
      %gather3A_616 = tpu.dynamic_gather %get3A_612[%gather3A_615] in [0] : vector<16xf32>, vector<16xi32> -> vector<16xf32>
      %eq3A_617 = arith.constant 0 : i32
      %eq3A_618 = vector.broadcast %eq3A_617 : i32 to vector<16xi32>
      %eq3A_619 = arith.cmpi eq, %iota3A, %eq3A_618 : vector<16xi32>
      %select_n3A_620 = arith.select %eq3A_619, %gather3A_616, %broadcast_in_dim3A_558 : vector<16xi1>, vector<16xf32>
      %add3A_621 = arith.constant 1 : i32
      %add3A_622 = arith.addi %mul3A_567, %add3A_621 : i32
      %get3A_623 = arith.index_cast %add3A_622 : i32 to index
      %get3A_624 = arith.constant 0 : index
      %get3A_625 = tpu.vector_load %arg7[%get3A_623, %get3A_624] {strides = array<i32>} : memref<512x16xf32, #tpu.memory_space<vmem>>, vector<1x16xf32>,
      %get3A_626 = vector.shape_cast %get3A_625 : vector<1x16xf32> to vector<16xf32>
      %gather3A_627 = vector.shape_cast %broadcast_in_dim3A_528 : vector<16x1xi32> to vector<16xi32>
      %gather3A_628 = tpu.dynamic_gather %and3A_606[%gather3A_627] in [0] : vector<16xi32>, vector<16xi32> -> vector<16xi32>
      %broadcast_in_dim3A_629 = vector.shape_cast %gather3A_628 : vector<16xi32> to vector<16x1xi32>
      %gather3A_630 = vector.shape_cast %broadcast_in_dim3A_629 : vector<16x1xi32> to vector<16xi32>
      %gather3A_631 = tpu.dynamic_gather %get3A_626[%gather3A_630] in [0] : vector<16xf32>, vector<16xi32> -> vector<16xf32>
      %eq3A_632 = arith.constant 1 : i32
      %eq3A_633 = vector.broadcast %eq3A_632 : i32 to vector<16xi32>
      %eq3A_634 = arith.cmpi eq, %iota3A, %eq3A_633 : vector<16xi32>
      %select_n3A_635 = arith.select %eq3A_634, %gather3A_631, %select_n3A_620 : vector<16xi1>, vector<16xf32>
      %add3A_636 = arith.constant 2 : i32
      %add3A_637 = arith.addi %mul3A_567, %add3A_636 : i32
      %get3A_638 = arith.index_cast %add3A_637 : i32 to index
      %get3A_639 = arith.constant 0 : index
      %get3A_640 = tpu.vector_load %arg7[%get3A_638, %get3A_639] {strides = array<i32>} : memref<512x16xf32, #tpu.memory_space<vmem>>, vector<1x16xf32>,
      %get3A_641 = vector.shape_cast %get3A_640 : vector<1x16xf32> to vector<16xf32>
      %gather3A_642 = vector.shape_cast %broadcast_in_dim3A_530 : vector<16x1xi32> to vector<16xi32>
      %gather3A_643 = tpu.dynamic_gather %and3A_606[%gather3A_642] in [0] : vector<16xi32>, vector<16xi32> -> vector<16xi32>
      %broadcast_in_dim3A_644 = vector.shape_cast %gather3A_643 : vector<16xi32> to vector<16x1xi32>
      %gather3A_645 = vector.shape_cast %broadcast_in_dim3A_644 : vector<16x1xi32> to vector<16xi32>
      %gather3A_646 = tpu.dynamic_gather %get3A_641[%gather3A_645] in [0] : vector<16xf32>, vector<16xi32> -> vector<16xf32>
      %eq3A_647 = arith.constant 2 : i32
      %eq3A_648 = vector.broadcast %eq3A_647 : i32 to vector<16xi32>
      %eq3A_649 = arith.cmpi eq, %iota3A, %eq3A_648 : vector<16xi32>
      %select_n3A_650 = arith.select %eq3A_649, %gather3A_646, %select_n3A_635 : vector<16xi1>, vector<16xf32>
      %add3A_651 = arith.constant 3 : i32
      %add3A_652 = arith.addi %mul3A_567, %add3A_651 : i32
      %get3A_653 = arith.index_cast %add3A_652 : i32 to index
      %get3A_654 = arith.constant 0 : index
      %get3A_655 = tpu.vector_load %arg7[%get3A_653, %get3A_654] {strides = array<i32>} : memref<512x16xf32, #tpu.memory_space<vmem>>, vector<1x16xf32>,
      %get3A_656 = vector.shape_cast %get3A_655 : vector<1x16xf32> to vector<16xf32>
      %gather3A_657 = vector.shape_cast %broadcast_in_dim3A_532 : vector<16x1xi32> to vector<16xi32>
      %gather3A_658 = tpu.dynamic_gather %and3A_606[%gather3A_657] in [0] : vector<16xi32>, vector<16xi32> -> vector<16xi32>
      %broadcast_in_dim3A_659 = vector.shape_cast %gather3A_658 : vector<16xi32> to vector<16x1xi32>
      %gather3A_660 = vector.shape_cast %broadcast_in_dim3A_659 : vector<16x1xi32> to vector<16xi32>
      %gather3A_661 = tpu.dynamic_gather %get3A_656[%gather3A_660] in [0] : vector<16xf32>, vector<16xi32> -> vector<16xf32>
      %eq3A_662 = arith.constant 3 : i32
      %eq3A_663 = vector.broadcast %eq3A_662 : i32 to vector<16xi32>
      %eq3A_664 = arith.cmpi eq, %iota3A, %eq3A_663 : vector<16xi32>
      %select_n3A_665 = arith.select %eq3A_664, %gather3A_661, %select_n3A_650 : vector<16xi1>, vector<16xf32>
      %add3A_666 = arith.constant 4 : i32
      %add3A_667 = arith.addi %mul3A_567, %add3A_666 : i32
      %get3A_668 = arith.index_cast %add3A_667 : i32 to index
      %get3A_669 = arith.constant 0 : index
      %get3A_670 = tpu.vector_load %arg7[%get3A_668, %get3A_669] {strides = array<i32>} : memref<512x16xf32, #tpu.memory_space<vmem>>, vector<1x16xf32>,
      %get3A_671 = vector.shape_cast %get3A_670 : vector<1x16xf32> to vector<16xf32>
      %gather3A_672 = vector.shape_cast %broadcast_in_dim3A_534 : vector<16x1xi32> to vector<16xi32>
      %gather3A_673 = tpu.dynamic_gather %and3A_606[%gather3A_672] in [0] : vector<16xi32>, vector<16xi32> -> vector<16xi32>
      %broadcast_in_dim3A_674 = vector.shape_cast %gather3A_673 : vector<16xi32> to vector<16x1xi32>
      %gather3A_675 = vector.shape_cast %broadcast_in_dim3A_674 : vector<16x1xi32> to vector<16xi32>
      %gather3A_676 = tpu.dynamic_gather %get3A_671[%gather3A_675] in [0] : vector<16xf32>, vector<16xi32> -> vector<16xf32>
      %eq3A_677 = arith.constant 4 : i32
      %eq3A_678 = vector.broadcast %eq3A_677 : i32 to vector<16xi32>
      %eq3A_679 = arith.cmpi eq, %iota3A, %eq3A_678 : vector<16xi32>
      %select_n3A_680 = arith.select %eq3A_679, %gather3A_676, %select_n3A_665 : vector<16xi1>, vector<16xf32>
      %add3A_681 = arith.constant 5 : i32
      %add3A_682 = arith.addi %mul3A_567, %add3A_681 : i32
      %get3A_683 = arith.index_cast %add3A_682 : i32 to index
      %get3A_684 = arith.constant 0 : index
      %get3A_685 = tpu.vector_load %arg7[%get3A_683, %get3A_684] {strides = array<i32>} : memref<512x16xf32, #tpu.memory_space<vmem>>, vector<1x16xf32>,
      %get3A_686 = vector.shape_cast %get3A_685 : vector<1x16xf32> to vector<16xf32>
      %gather3A_687 = vector.shape_cast %broadcast_in_dim3A_536 : vector<16x1xi32> to vector<16xi32>
      %gather3A_688 = tpu.dynamic_gather %and3A_606[%gather3A_687] in [0] : vector<16xi32>, vector<16xi32> -> vector<16xi32>
      %broadcast_in_dim3A_689 = vector.shape_cast %gather3A_688 : vector<16xi32> to vector<16x1xi32>
      %gather3A_690 = vector.shape_cast %broadcast_in_dim3A_689 : vector<16x1xi32> to vector<16xi32>
      %gather3A_691 = tpu.dynamic_gather %get3A_686[%gather3A_690] in [0] : vector<16xf32>, vector<16xi32> -> vector<16xf32>
      %eq3A_692 = arith.constant 5 : i32
      %eq3A_693 = vector.broadcast %eq3A_692 : i32 to vector<16xi32>
      %eq3A_694 = arith.cmpi eq, %iota3A, %eq3A_693 : vector<16xi32>
      %select_n3A_695 = arith.select %eq3A_694, %gather3A_691, %select_n3A_680 : vector<16xi1>, vector<16xf32>
      %add3A_696 = arith.constant 6 : i32
      %add3A_697 = arith.addi %mul3A_567, %add3A_696 : i32
      %get3A_698 = arith.index_cast %add3A_697 : i32 to index
      %get3A_699 = arith.constant 0 : index
      %get3A_700 = tpu.vector_load %arg7[%get3A_698, %get3A_699] {strides = array<i32>} : memref<512x16xf32, #tpu.memory_space<vmem>>, vector<1x16xf32>,
      %get3A_701 = vector.shape_cast %get3A_700 : vector<1x16xf32> to vector<16xf32>
      %gather3A_702 = vector.shape_cast %broadcast_in_dim3A_538 : vector<16x1xi32> to vector<16xi32>
      %gather3A_703 = tpu.dynamic_gather %and3A_606[%gather3A_702] in [0] : vector<16xi32>, vector<16xi32> -> vector<16xi32>
      %broadcast_in_dim3A_704 = vector.shape_cast %gather3A_703 : vector<16xi32> to vector<16x1xi32>
      %gather3A_705 = vector.shape_cast %broadcast_in_dim3A_704 : vector<16x1xi32> to vector<16xi32>
      %gather3A_706 = tpu.dynamic_gather %get3A_701[%gather3A_705] in [0] : vector<16xf32>, vector<16xi32> -> vector<16xf32>
      %eq3A_707 = arith.constant 6 : i32
      %eq3A_708 = vector.broadcast %eq3A_707 : i32 to vector<16xi32>
      %eq3A_709 = arith.cmpi eq, %iota3A, %eq3A_708 : vector<16xi32>
      %select_n3A_710 = arith.select %eq3A_709, %gather3A_706, %select_n3A_695 : vector<16xi1>, vector<16xf32>
      %add3A_711 = arith.constant 7 : i32
      %add3A_712 = arith.addi %mul3A_567, %add3A_711 : i32
      %get3A_713 = arith.index_cast %add3A_712 : i32 to index
      %get3A_714 = arith.constant 0 : index
      %get3A_715 = tpu.vector_load %arg7[%get3A_713, %get3A_714] {strides = array<i32>} : memref<512x16xf32, #tpu.memory_space<vmem>>, vector<1x16xf32>,
      %get3A_716 = vector.shape_cast %get3A_715 : vector<1x16xf32> to vector<16xf32>
      %gather3A_717 = vector.shape_cast %broadcast_in_dim3A_540 : vector<16x1xi32> to vector<16xi32>
      %gather3A_718 = tpu.dynamic_gather %and3A_606[%gather3A_717] in [0] : vector<16xi32>, vector<16xi32> -> vector<16xi32>
      %broadcast_in_dim3A_719 = vector.shape_cast %gather3A_718 : vector<16xi32> to vector<16x1xi32>
      %gather3A_720 = vector.shape_cast %broadcast_in_dim3A_719 : vector<16x1xi32> to vector<16xi32>
      %gather3A_721 = tpu.dynamic_gather %get3A_716[%gather3A_720] in [0] : vector<16xf32>, vector<16xi32> -> vector<16xf32>
      %eq3A_722 = arith.constant 7 : i32
      %eq3A_723 = vector.broadcast %eq3A_722 : i32 to vector<16xi32>
      %eq3A_724 = arith.cmpi eq, %iota3A, %eq3A_723 : vector<16xi32>
      %select_n3A_725 = arith.select %eq3A_724, %gather3A_721, %select_n3A_710 : vector<16xi1>, vector<16xf32>
      %add3A_726 = arith.constant 8 : i32
      %add3A_727 = arith.addi %mul3A_567, %add3A_726 : i32
      %get3A_728 = arith.index_cast %add3A_727 : i32 to index
      %get3A_729 = arith.constant 0 : index
      %get3A_730 = tpu.vector_load %arg7[%get3A_728, %get3A_729] {strides = array<i32>} : memref<512x16xf32, #tpu.memory_space<vmem>>, vector<1x16xf32>,
      %get3A_731 = vector.shape_cast %get3A_730 : vector<1x16xf32> to vector<16xf32>
      %gather3A_732 = vector.shape_cast %broadcast_in_dim3A_542 : vector<16x1xi32> to vector<16xi32>
      %gather3A_733 = tpu.dynamic_gather %and3A_606[%gather3A_732] in [0] : vector<16xi32>, vector<16xi32> -> vector<16xi32>
      %broadcast_in_dim3A_734 = vector.shape_cast %gather3A_733 : vector<16xi32> to vector<16x1xi32>
      %gather3A_735 = vector.shape_cast %broadcast_in_dim3A_734 : vector<16x1xi32> to vector<16xi32>
      %gather3A_736 = tpu.dynamic_gather %get3A_731[%gather3A_735] in [0] : vector<16xf32>, vector<16xi32> -> vector<16xf32>
      %eq3A_737 = arith.constant 8 : i32
      %eq3A_738 = vector.broadcast %eq3A_737 : i32 to vector<16xi32>
      %eq3A_739 = arith.cmpi eq, %iota3A, %eq3A_738 : vector<16xi32>
      %select_n3A_740 = arith.select %eq3A_739, %gather3A_736, %select_n3A_725 : vector<16xi1>, vector<16xf32>
      %add3A_741 = arith.constant 9 : i32
      %add3A_742 = arith.addi %mul3A_567, %add3A_741 : i32
      %get3A_743 = arith.index_cast %add3A_742 : i32 to index
      %get3A_744 = arith.constant 0 : index
      %get3A_745 = tpu.vector_load %arg7[%get3A_743, %get3A_744] {strides = array<i32>} : memref<512x16xf32, #tpu.memory_space<vmem>>, vector<1x16xf32>,
      %get3A_746 = vector.shape_cast %get3A_745 : vector<1x16xf32> to vector<16xf32>
      %gather3A_747 = vector.shape_cast %broadcast_in_dim3A_544 : vector<16x1xi32> to vector<16xi32>
      %gather3A_748 = tpu.dynamic_gather %and3A_606[%gather3A_747] in [0] : vector<16xi32>, vector<16xi32> -> vector<16xi32>
      %broadcast_in_dim3A_749 = vector.shape_cast %gather3A_748 : vector<16xi32> to vector<16x1xi32>
      %gather3A_750 = vector.shape_cast %broadcast_in_dim3A_749 : vector<16x1xi32> to vector<16xi32>
      %gather3A_751 = tpu.dynamic_gather %get3A_746[%gather3A_750] in [0] : vector<16xf32>, vector<16xi32> -> vector<16xf32>
      %eq3A_752 = arith.constant 9 : i32
      %eq3A_753 = vector.broadcast %eq3A_752 : i32 to vector<16xi32>
      %eq3A_754 = arith.cmpi eq, %iota3A, %eq3A_753 : vector<16xi32>
      %select_n3A_755 = arith.select %eq3A_754, %gather3A_751, %select_n3A_740 : vector<16xi1>, vector<16xf32>
      %add3A_756 = arith.constant 10 : i32
      %add3A_757 = arith.addi %mul3A_567, %add3A_756 : i32
      %get3A_758 = arith.index_cast %add3A_757 : i32 to index
      %get3A_759 = arith.constant 0 : index
      %get3A_760 = tpu.vector_load %arg7[%get3A_758, %get3A_759] {strides = array<i32>} : memref<512x16xf32, #tpu.memory_space<vmem>>, vector<1x16xf32>,
      %get3A_761 = vector.shape_cast %get3A_760 : vector<1x16xf32> to vector<16xf32>
      %gather3A_762 = vector.shape_cast %broadcast_in_dim3A_546 : vector<16x1xi32> to vector<16xi32>
      %gather3A_763 = tpu.dynamic_gather %and3A_606[%gather3A_762] in [0] : vector<16xi32>, vector<16xi32> -> vector<16xi32>
      %broadcast_in_dim3A_764 = vector.shape_cast %gather3A_763 : vector<16xi32> to vector<16x1xi32>
      %gather3A_765 = vector.shape_cast %broadcast_in_dim3A_764 : vector<16x1xi32> to vector<16xi32>
      %gather3A_766 = tpu.dynamic_gather %get3A_761[%gather3A_765] in [0] : vector<16xf32>, vector<16xi32> -> vector<16xf32>
      %eq3A_767 = arith.constant 10 : i32
      %eq3A_768 = vector.broadcast %eq3A_767 : i32 to vector<16xi32>
      %eq3A_769 = arith.cmpi eq, %iota3A, %eq3A_768 : vector<16xi32>
      %select_n3A_770 = arith.select %eq3A_769, %gather3A_766, %select_n3A_755 : vector<16xi1>, vector<16xf32>
      %add3A_771 = arith.constant 11 : i32
      %add3A_772 = arith.addi %mul3A_567, %add3A_771 : i32
      %get3A_773 = arith.index_cast %add3A_772 : i32 to index
      %get3A_774 = arith.constant 0 : index
      %get3A_775 = tpu.vector_load %arg7[%get3A_773, %get3A_774] {strides = array<i32>} : memref<512x16xf32, #tpu.memory_space<vmem>>, vector<1x16xf32>,
      %get3A_776 = vector.shape_cast %get3A_775 : vector<1x16xf32> to vector<16xf32>
      %gather3A_777 = vector.shape_cast %broadcast_in_dim3A_548 : vector<16x1xi32> to vector<16xi32>
      %gather3A_778 = tpu.dynamic_gather %and3A_606[%gather3A_777] in [0] : vector<16xi32>, vector<16xi32> -> vector<16xi32>
      %broadcast_in_dim3A_779 = vector.shape_cast %gather3A_778 : vector<16xi32> to vector<16x1xi32>
      %gather3A_780 = vector.shape_cast %broadcast_in_dim3A_779 : vector<16x1xi32> to vector<16xi32>
      %gather3A_781 = tpu.dynamic_gather %get3A_776[%gather3A_780] in [0] : vector<16xf32>, vector<16xi32> -> vector<16xf32>
      %eq3A_782 = arith.constant 11 : i32
      %eq3A_783 = vector.broadcast %eq3A_782 : i32 to vector<16xi32>
      %eq3A_784 = arith.cmpi eq, %iota3A, %eq3A_783 : vector<16xi32>
      %select_n3A_785 = arith.select %eq3A_784, %gather3A_781, %select_n3A_770 : vector<16xi1>, vector<16xf32>
      %add3A_786 = arith.constant 12 : i32
      %add3A_787 = arith.addi %mul3A_567, %add3A_786 : i32
      %get3A_788 = arith.index_cast %add3A_787 : i32 to index
      %get3A_789 = arith.constant 0 : index
      %get3A_790 = tpu.vector_load %arg7[%get3A_788, %get3A_789] {strides = array<i32>} : memref<512x16xf32, #tpu.memory_space<vmem>>, vector<1x16xf32>,
      %get3A_791 = vector.shape_cast %get3A_790 : vector<1x16xf32> to vector<16xf32>
      %gather3A_792 = vector.shape_cast %broadcast_in_dim3A_550 : vector<16x1xi32> to vector<16xi32>
      %gather3A_793 = tpu.dynamic_gather %and3A_606[%gather3A_792] in [0] : vector<16xi32>, vector<16xi32> -> vector<16xi32>
      %broadcast_in_dim3A_794 = vector.shape_cast %gather3A_793 : vector<16xi32> to vector<16x1xi32>
      %gather3A_795 = vector.shape_cast %broadcast_in_dim3A_794 : vector<16x1xi32> to vector<16xi32>
      %gather3A_796 = tpu.dynamic_gather %get3A_791[%gather3A_795] in [0] : vector<16xf32>, vector<16xi32> -> vector<16xf32>
      %eq3A_797 = arith.constant 12 : i32
      %eq3A_798 = vector.broadcast %eq3A_797 : i32 to vector<16xi32>
      %eq3A_799 = arith.cmpi eq, %iota3A, %eq3A_798 : vector<16xi32>
      %select_n3A_800 = arith.select %eq3A_799, %gather3A_796, %select_n3A_785 : vector<16xi1>, vector<16xf32>
      %add3A_801 = arith.constant 13 : i32
      %add3A_802 = arith.addi %mul3A_567, %add3A_801 : i32
      %get3A_803 = arith.index_cast %add3A_802 : i32 to index
      %get3A_804 = arith.constant 0 : index
      %get3A_805 = tpu.vector_load %arg7[%get3A_803, %get3A_804] {strides = array<i32>} : memref<512x16xf32, #tpu.memory_space<vmem>>, vector<1x16xf32>,
      %get3A_806 = vector.shape_cast %get3A_805 : vector<1x16xf32> to vector<16xf32>
      %gather3A_807 = vector.shape_cast %broadcast_in_dim3A_552 : vector<16x1xi32> to vector<16xi32>
      %gather3A_808 = tpu.dynamic_gather %and3A_606[%gather3A_807] in [0] : vector<16xi32>, vector<16xi32> -> vector<16xi32>
      %broadcast_in_dim3A_809 = vector.shape_cast %gather3A_808 : vector<16xi32> to vector<16x1xi32>
      %gather3A_810 = vector.shape_cast %broadcast_in_dim3A_809 : vector<16x1xi32> to vector<16xi32>
      %gather3A_811 = tpu.dynamic_gather %get3A_806[%gather3A_810] in [0] : vector<16xf32>, vector<16xi32> -> vector<16xf32>
      %eq3A_812 = arith.constant 13 : i32
      %eq3A_813 = vector.broadcast %eq3A_812 : i32 to vector<16xi32>
      %eq3A_814 = arith.cmpi eq, %iota3A, %eq3A_813 : vector<16xi32>
      %select_n3A_815 = arith.select %eq3A_814, %gather3A_811, %select_n3A_800 : vector<16xi1>, vector<16xf32>
      %add3A_816 = arith.constant 14 : i32
      %add3A_817 = arith.addi %mul3A_567, %add3A_816 : i32
      %get3A_818 = arith.index_cast %add3A_817 : i32 to index
      %get3A_819 = arith.constant 0 : index
      %get3A_820 = tpu.vector_load %arg7[%get3A_818, %get3A_819] {strides = array<i32>} : memref<512x16xf32, #tpu.memory_space<vmem>>, vector<1x16xf32>,
      %get3A_821 = vector.shape_cast %get3A_820 : vector<1x16xf32> to vector<16xf32>
      %gather3A_822 = vector.shape_cast %broadcast_in_dim3A_554 : vector<16x1xi32> to vector<16xi32>
      %gather3A_823 = tpu.dynamic_gather %and3A_606[%gather3A_822] in [0] : vector<16xi32>, vector<16xi32> -> vector<16xi32>
      %broadcast_in_dim3A_824 = vector.shape_cast %gather3A_823 : vector<16xi32> to vector<16x1xi32>
      %gather3A_825 = vector.shape_cast %broadcast_in_dim3A_824 : vector<16x1xi32> to vector<16xi32>
      %gather3A_826 = tpu.dynamic_gather %get3A_821[%gather3A_825] in [0] : vector<16xf32>, vector<16xi32> -> vector<16xf32>
      %eq3A_827 = arith.constant 14 : i32
      %eq3A_828 = vector.broadcast %eq3A_827 : i32 to vector<16xi32>
      %eq3A_829 = arith.cmpi eq, %iota3A, %eq3A_828 : vector<16xi32>
      %select_n3A_830 = arith.select %eq3A_829, %gather3A_826, %select_n3A_815 : vector<16xi1>, vector<16xf32>
      %add3A_831 = arith.constant 15 : i32
      %add3A_832 = arith.addi %mul3A_567, %add3A_831 : i32
      %get3A_833 = arith.index_cast %add3A_832 : i32 to index
      %get3A_834 = arith.constant 0 : index
      %get3A_835 = tpu.vector_load %arg7[%get3A_833, %get3A_834] {strides = array<i32>} : memref<512x16xf32, #tpu.memory_space<vmem>>, vector<1x16xf32>,
      %get3A_836 = vector.shape_cast %get3A_835 : vector<1x16xf32> to vector<16xf32>
      %gather3A_837 = vector.shape_cast %broadcast_in_dim3A_556 : vector<16x1xi32> to vector<16xi32>
      %gather3A_838 = tpu.dynamic_gather %and3A_606[%gather3A_837] in [0] : vector<16xi32>, vector<16xi32> -> vector<16xi32>
      %broadcast_in_dim3A_839 = vector.shape_cast %gather3A_838 : vector<16xi32> to vector<16x1xi32>
      %gather3A_840 = vector.shape_cast %broadcast_in_dim3A_839 : vector<16x1xi32> to vector<16xi32>
      %gather3A_841 = tpu.dynamic_gather %get3A_836[%gather3A_840] in [0] : vector<16xf32>, vector<16xi32> -> vector<16xf32>
      %eq3A_842 = arith.constant 15 : i32
      %eq3A_843 = vector.broadcast %eq3A_842 : i32 to vector<16xi32>
      %eq3A_844 = arith.cmpi eq, %iota3A, %eq3A_843 : vector<16xi32>
      %select_n3A_845 = arith.select %eq3A_844, %gather3A_841, %select_n3A_830 : vector<16xi1>, vector<16xf32>
      %swap3A_846 = arith.index_cast %mul3A_567 : i32 to index
      %swap3A_847 = tpu.vector_load %arg8[%swap3A_846] {strides = array<i32>} : memref<512xf32, #tpu.memory_space<vmem>>, vector<16xf32>,
      %swap3A_848 = vector.shape_cast %swap3A_847 : vector<16xf32> to vector<16xf32>
      %swap3A_849 = vector.shape_cast %select_n3A_845 : vector<16xf32> to vector<16xf32>
      tpu.vector_store %arg8[%swap3A_846], %swap3A_849 {strides = array<i32>} : memref<512xf32, #tpu.memory_space<vmem>>, vector<16xf32>,
    }
    %scan3A_562 = arith.constant 32 : i32
    %mul3A_563 = arith.constant 512 : i32
    %mul3A_564 = arith.muli %add3A, %mul3A_563 : i32
    "tpu.region"() ({
      %run_scoped3A = tpu.sem_alloc : memref<!tpu.dma_semaphore, #tpu.memory_space<semaphore_mem>>
      %dma_start3A_565 = tpu.memref_slice %arg4[%mul3A_564] : memref<16384xf32, #tpu.memory_space<hbm>> -> memref<512xf32, #tpu.memory_space<hbm>>
      %dma_start3A_566 = tpu.memref_slice %arg4[%mul3A_564] : memref<16384xf32, #tpu.memory_space<hbm>> -> memref<512xf32, #tpu.memory_space<hbm>>
      tpu.enqueue_dma source(%arg8 : memref<512xf32, #tpu.memory_space<vmem>>) target(%dma_start3A_566 : memref<512xf32, #tpu.memory_space<hbm>>) target_semaphore(%run_scoped3A : memref<!tpu.dma_semaphore, #tpu.memory_space<semaphore_mem>>)
      %dma_wait3A_567 = tpu.memref_slice %arg4[%mul3A_564] : memref<16384xf32, #tpu.memory_space<hbm>> -> memref<512xf32, #tpu.memory_space<hbm>>
      %dma_wait3A_568 = tpu.memref_slice %arg4[%mul3A_564] : memref<16384xf32, #tpu.memory_space<hbm>> -> memref<512xf32, #tpu.memory_space<hbm>>
      tpu.wait_dma2 semaphore(%run_scoped3A : memref<!tpu.dma_semaphore, #tpu.memory_space<semaphore_mem>>) src(%arg8 : memref<512xf32, #tpu.memory_space<vmem>>) dst(%dma_wait3A_568 : memref<512xf32, #tpu.memory_space<hbm>>)
      tpu.yield
    }) : () -> ()
    return
  }
}

module attributes {stable_mosaic.version = 14 : i64} {
  func.func @_dot_body(%arg0: i32, %arg1: memref<32x32768xf32, #tpu.memory_space<vmem>>, %arg2: memref<32x32768xf32, #tpu.memory_space<vmem>>, %arg3: memref<32768xf32, #tpu.memory_space<vmem>>, %arg4: memref<32768xf32, #tpu.memory_space<vmem>>, %arg5: memref<32768xf32, #tpu.memory_space<vmem>>) attributes {dimension_semantics = [#tpu.dimension_semantics<arbitrary>], iteration_bounds = array<i64: 31>, scalar_prefetch = 0 : i64, scratch_operands = 0 : i64, tpu.core_type = #tpu.core_type<tc>, window_params = [{transform_indices = @transform_0, window_bounds = array<i64: 32, 32768>}, {transform_indices = @transform_1, window_bounds = array<i64: 32, 32768>}, {transform_indices = @transform_2, window_bounds = array<i64: 32768>}, {transform_indices = @transform_3, window_bounds = array<i64: 32768>}, {transform_indices = @transform_4, window_bounds = array<i64: 32768>}]} {
    %get3A = arith.constant 0 : index
    %get3A_0 = arith.constant 0 : index
    %get3A_1 = vector.load %arg1[%get3A, %get3A_0] : memref<32x32768xf32, #tpu.memory_space<vmem>>, vector<32x32768xf32>
    %get3A_2 = arith.constant 0 : index
    %get3A_3 = arith.constant 0 : index
    %get3A_4 = vector.load %arg2[%get3A_2, %get3A_3] : memref<32x32768xf32, #tpu.memory_space<vmem>>, vector<32x32768xf32>
    %mul3A = arith.mulf %get3A_1, %get3A_4 : vector<32x32768xf32>
    %reduce_sum3A = arith.constant dense<0.000000e+00> : vector<32768xf32>
    %reduce_sum3A_5 = vector.multi_reduction <add>, %mul3A, %reduce_sum3A [0] : vector<32x32768xf32> to vector<32768xf32>
    %get3A_6 = arith.constant 0 : index
    %get3A_7 = vector.load %arg3[%get3A_6] : memref<32768xf32, #tpu.memory_space<vmem>>, vector<32768xf32>
    %add3A = arith.addf %reduce_sum3A_5, %get3A_7 : vector<32768xf32>
    %get3A_8 = arith.constant 0 : index
    %get3A_9 = vector.load %arg4[%get3A_8] : memref<32768xf32, #tpu.memory_space<vmem>>, vector<32768xf32>
    %add3A_10 = arith.addf %add3A, %get3A_9 : vector<32768xf32>
    %swap3A = arith.constant 0 : index
    %swap3A_11 = vector.load %arg5[%swap3A] : memref<32768xf32, #tpu.memory_space<vmem>>, vector<32768xf32>
    tpu.vector_store %arg5[%swap3A], %add3A_10 {strides = array<i32>} : memref<32768xf32, #tpu.memory_space<vmem>>, vector<32768xf32>,
    return
  }
  func.func @transform_0(%arg0: i32) -> (i32, i32) {
    %c0_i32 = arith.constant 0 : i32
    %c0_i32_0 = arith.constant 0 : i32
    return %c0_i32, %arg0 : i32, i32
  }
  func.func @transform_1(%arg0: i32) -> (i32, i32) {
    %c0_i32 = arith.constant 0 : i32
    %c0_i32_0 = arith.constant 0 : i32
    return %c0_i32, %arg0 : i32, i32
  }
  func.func @transform_2(%arg0: i32) -> i32 {
    %c0_i32 = arith.constant 0 : i32
    return %arg0 : i32
  }
  func.func @transform_3(%arg0: i32) -> i32 {
    %c0_i32 = arith.constant 0 : i32
    return %arg0 : i32
  }
  func.func @transform_4(%arg0: i32) -> i32 {
    %c0_i32 = arith.constant 0 : i32
    return %arg0 : i32
  }
}

</mosaic_0001>

<sc_bundles>
// kernel: kernel.4.cloned.1.call-start
scs
__scs_entry_jumppad:
0x0: {  	(pc) =	sbr.rel $0x88, $3  }
0x1: {  	(tag) =	ssettag $0x0;
	lr =	simm.s32 $0x1  }
0x2: {  	[smem:$0x3F9C] =	sst lr;
	_ =	strace $0xD0000000  }
0x3: {  	_ = 	snop  }
0x4: {  	_ = 	snop  }
0x5: {  	_ = 	snop  }
0x6: {  	_ = 	snop  }
0x7: {  	_ = 	snop  }
__scs_overlays_trampoline_lowered:
0x8: {  	[smem:$0x3FAB] =	sst s0  }
0x9: {  	[smem:$0x3FAC] =	sst s1  }
0xa: {  	[smem:$0x3FAD] =	sst s2  }
0xb: {  	[smem:$0x3FAE] =	sst s3  }
0xc: {  	[smem:$0x3FAF] =	sst s4  }
0xd: {  	[smem:$0x3FB0] =	sst s5  }
0xe: {  	[smem:$0x3FB1] =	sst s6  }
0xf: {  	[smem:$0x3FB2] =	sst s7  }
0x10: {  	[smem:$0x3FB3] =	sst s8  }
0x11: {  	[smem:$0x3FB4] =	sst s9;
	s0 =	simm.s32 @!p0 $0x0  }
0x12: {  	s1 =	sld [smem:$0x3F9A];
	s0 =	simm.s32 @p0 $0x1  }
0x13: {  	[smem:$0x3FB5] =	sst s0;
	s0 =	simm.s32 @!p1 $0x0  }
0x14: {  	s2 =	sld [smem:$0x3F99];
	s0 =	simm.s32 @p1 $0x1  }
0x15: {  	[smem:$0x3FB6] =	sst s0;
	s0 =	simm.s32 @!p2 $0x0  }
0x16: {  	s3 =	sld [smem:$0x3FDB];
	s0 =	simm.s32 @p2 $0x1  }
0x17: {  	s4 =	simm.s32 $0x1BF5;
	[smem:$0x3FB8] =	sst s0  }
0x18: {  	s0 =	sld [smem:$0x3F9B];
	_ =	swait.ge [sflag:s4], $0x0  }
0x19: {  	s7 =	sld [smem:$0x3F9C]  }
0x1a: {  	s8 =	sadd.s32 $0xFFFFE003, lr  }
0x1b: {  	s9 =	sadd.s32 $0xFFFFFEF7, lr;
	s5 =	simm.s32 $0xFFFFFFFF;
	p2 =	slt.u32 s8, $0xFFFFF086  }
0x1c: {  	p1 =	slt.u32 s9, $0xF7A;
	s5 =	simm.s32 @!p2 $0x0  }
0x1d: {  	s5 =	simm.s32 @p1 $0x1;
	p0 =	seq.s32 s7, s2  }
0x1e: {  	s7 =	smul.u32 @!p0 $0xF7A, s2;
	p2 =	seq.s32 @!p0 s5, $0x0  }
0x1f: {  	s9 =	smul.u32 $0xF7A, s1;
	s8 =	simm.s32 @!p0 $0x1BF5;
	p2 =	por !p2, p0  }
0x20: {  	[sflag:s8] =	ssyncset.s32 @!p0 $0xFFFFF086;
	s6 =	sadd.s32 @!p0 s3, s7;
	s7 =	simm.s32 @!p0 $0x108  }
0x21: {  	s3 =	sadd.s32 s3, s9;
	s6 =	sadd.s32 @!p0 $0x88, s6;
	s7 =	simm.s32 @p2 $0x1082  }
0x22: {  	[simem:s7], [sflag:s8] =	dma.local @!p0 [hbm:s6], $0xF7A  }
0x23: {  	s9 =	sor.u32 $0xD0000000, s2;
	s6 =	simm.s32 $0x108;
	_ =	swait.ge @!p0 [sflag:s8], $0x0  }
0x24: {  	s3 =	sadd.s32 $0x88, s3;
	s6 =	simm.s32 @!p1 $0x1082;
	[sflag:s4] =	ssyncset.s32 $0xFFFFF086  }
0x25: {  	[simem:s6], [sflag:s4] =	dma.local [hbm:s3], $0xF7A  }
0x26: {  	[smem:$0x3F9C] =	sst s1;
	(tag) =	ssettag s2;
	_ =	strace s9  }
0x27: {  	s1 =	sld [smem:$0x3FAC]  }
0x28: {  	s2 =	sld [smem:$0x3FAD]  }
0x29: {  	s4 =	sld [smem:$0x3FAF]  }
0x2a: {  	p0 =	seq.s32 s5, $0x0;
	s5 =	sld [smem:$0x3FB0]  }
0x2b: {  	s6 =	sld [smem:$0x3FB1]  }
0x2c: {  	s7 =	sld [smem:$0x3FB2]  }
0x2d: {  	s3 =	simm.s32 $0x108;
	s8 =	sld [smem:$0x3FB3]  }
0x2e: {  	s3 =	simm.s32 @!p0 $0x1082;
	s9 =	sld [smem:$0x3FB4]  }
0x2f: {  	lr =	sadd.s32 s0, s3;
	s0 =	sld [smem:$0x3FAB]  }
0x30: {  	s3 =	sld [smem:$0x3FAE]  }
0x31: {  	[smem:$0x3FB7] =	sst s10  }
0x32: {  	s10 =	sld [smem:$0x3FB5];
	_ =	sdelay $0x3  }
0x33: {  	p0 =	seq.s32 s10, $0x1;
	s10 =	sld [smem:$0x3FB7];
	_ =	sdelay $0x3  }
0x34: {  	[smem:$0x3FB7] =	sst s10  }
0x35: {  	s10 =	sld [smem:$0x3FB6];
	_ =	sdelay $0x3  }
0x36: {  	p1 =	seq.s32 s10, $0x1;
	s10 =	sld [smem:$0x3FB7];
	_ =	sdelay $0x3  }
0x37: {  	[smem:$0x3FB7] =	sst s10  }
0x38: {  	s10 =	sld [smem:$0x3FB8]  }
0x39: {  	_ = 	snop;
	(pc) =	sbr.ind lr, $3  }
0x3a: {  	_ = 	snop  }
0x3b: {  	_ = 	snop  }
0x3c: {  	p2 =	seq.s32 s10, $0x1;
	s10 =	sld [smem:$0x3FB7]  }
0x3d: {  	_ =	shalt  }
0x3e: {  	_ =	shalt  }
0x3f: {  	_ =	shalt  }
0x40: {  	_ =	shalt  }
0x41: {  	_ =	shalt  }
0x42: {  	_ =	shalt  }
0x43: {  	_ =	shalt  }
0x44: {  	_ =	shalt  }
0x45: {  	_ =	shalt  }
0x46: {  	_ =	shalt  }
0x47: {  	_ =	shalt  }
0x48: {  	_ =	shalt  }
0x49: {  	_ =	shalt  }
0x4a: {  	_ =	shalt  }
0x4b: {  	_ =	shalt  }
0x4c: {  	_ =	shalt  }
0x4d: {  	_ =	shalt  }
0x4e: {  	_ =	shalt  }
0x4f: {  	_ =	shalt  }
0x50: {  	_ =	shalt  }
0x51: {  	_ =	shalt  }
0x52: {  	_ =	shalt  }
0x53: {  	_ =	shalt  }
0x54: {  	_ =	shalt  }
0x55: {  	_ =	shalt  }
0x56: {  	_ =	shalt  }
0x57: {  	_ =	shalt  }
0x58: {  	_ =	shalt  }
0x59: {  	_ =	shalt  }
0x5a: {  	_ =	shalt  }
0x5b: {  	_ =	shalt  }
0x5c: {  	_ =	shalt  }
0x5d: {  	_ =	shalt  }
0x5e: {  	_ =	shalt  }
0x5f: {  	_ =	shalt  }
0x60: {  	_ =	shalt  }
0x61: {  	_ =	shalt  }
0x62: {  	_ =	shalt  }
0x63: {  	_ =	shalt  }
0x64: {  	_ =	shalt  }
0x65: {  	_ =	shalt  }
0x66: {  	_ =	shalt  }
0x67: {  	_ =	shalt  }
0x68: {  	_ =	shalt  }
0x69: {  	_ =	shalt  }
0x6a: {  	_ =	shalt  }
0x6b: {  	_ =	shalt  }
0x6c: {  	_ =	shalt  }
0x6d: {  	_ =	shalt  }
0x6e: {  	_ =	shalt  }
0x6f: {  	_ =	shalt  }
0x70: {  	_ =	shalt  }
0x71: {  	_ =	shalt  }
0x72: {  	_ =	shalt  }
0x73: {  	_ =	shalt  }
0x74: {  	_ =	shalt  }
0x75: {  	_ =	shalt  }
0x76: {  	_ =	shalt  }
0x77: {  	_ =	shalt  }
0x78: {  	_ =	shalt  }
0x79: {  	_ =	shalt  }
0x7a: {  	_ =	shalt  }
0x7b: {  	_ =	shalt  }
0x7c: {  	_ =	shalt  }
0x7d: {  	_ =	shalt  }
0x7e: {  	_ =	shalt  }
0x7f: {  	_ =	shalt  }
0x80: {  	_ =	shalt  }
0x81: {  	_ =	shalt  }
0x82: {  	_ =	shalt  }
0x83: {  	_ =	shalt  }
0x84: {  	_ =	shalt  }
0x85: {  	_ =	shalt  }
0x86: {  	_ =	shalt  }
0x87: {  	_ =	shalt  }
.Lfunc_end0:
.L_simem_size_0:
called_computation_lowered:
.L_overlay_start_0:
0x88: {  	s2 =	sld [smem:$0x3FD9]  }
0x89: {  	s3 =	sld [smem:$0x3FFE];
	_ =	sdelay $0x1  }
0x8a: {  	s1 =	srdreg.scid  }
0x8b: {  	s0 =	sand.u32 $0x1, s1  }
0x8c: {  	s17 =	sshll.u32 s0, $0xA;
	s2 =	sadd.s32 s3, s2  }
0x8d: {  	s2 =	sadd.s32 s2, s17  }
0x8e: {  	[smem:$0x3FC3] =	sst s2  }
0x8f: {  	_ = 	snop  }
0x90: {  	s2 =	sld [smem:$0x3FC9]  }
0x91: {  	s18 =	sld [smem:$0x3FD0];
	(tm) =	ssettm $0x1  }
0x92: {  	s4 =	sld [smem:$0x3FFB];
	_ =	sdelay $0x3  }
0x93: {  	_ =	strace s4  }
0x94: {  	s4 =	sld [smem:$0x3FFC];
	_ =	sdelay $0x3  }
0x95: {  	_ =	strace s4  }
0x96: {  	s4 =	sld [smem:$0x3FFD];
	_ =	sdelay $0x3  }
0x97: {  	_ =	strace s4  }
0x98: {  	_ =	strace $0x8FFFFFFF  }
0x99: {  	s19 =	sld [smem:$0x3FDB];
	_ =	sdelay $0x1  }
0x9a: {  	s5 =	simm.s32 $_scs_section_size  }
0x9b: {  	s6 =	simm.s32 $_size__tile_overlayer_lowered;
	s7 =	simm.s32 $_tile_overlayer_lowered  }
0x9c: {  	s22 =	simm.s32 $0x1BFF;
	s21 =	sshll.u32 s7, $0x1;
	s4 =	sadd.s32 s5, s19  }
0x9d: {  	s8 =	simm.s32 $0x0;
	s20 =	sshll.u32 s6, $0x1;
	s6 =	sadd.s32 s21, s4  }
0x9e: {  	[timem:s8], [sflag:s22] =	dma.local [hbm:s6], s20  }
0x9f: {  	_ =	swait.ge [sflag:s22], s20  }
0xa0: {  	s5 =	ssub.s32 $0x0, s20;
	[sflag:s22] =	ssyncset.done $0x0  }
0xa1: {  	[sflag:s22] =	ssyncadd.s32 s5;
	_ =	sdelay $0x1  }
0xa2: {  	s23 =	simm.s32 $0x1B8B  }
0xa3: {  	_ =	swait.ge [sflag:s23], $0x1  }
0xa4: {  	[sflag:s23] =	ssyncset.done $0x0  }
0xa5: {  	s25 =	simm.s32 $0x1B8E;
	s24 =	sld [smem:$0x3FFE];
	[sflag:s23] =	ssyncadd.s32 $0xFFFFFFFF  }
0xa6: {  	s26 =	simm.s32 $execute0_lowered;
	[smem:$0x3FD2] =	sst s25  }
0xa7: {  	s6 =	sshll.u32 s26, $0x1;
	_ =	strace $0x80000046;
	[dreg:$0x1] =	wrdreg $0xFFFFFFFF  }
0xa8: {  	s28 =	simm.s32 $_size_execute0_lowered;
	s4 =	sadd.s32 s4, s6;
	[dreg:$0x0] =	wrdreg $0x0  }
0xa9: {  	s6 =	sshll.u32 s28, $0x1;
	[dreg:$0x2] =	wrdreg s4  }
0xaa: {  	[dreg:$0x3] =	wrdreg s6  }
0xab: {  	[dreg:$0x4] =	wrdreg $0xC0  }
0xac: {  	_ =	task [dreg:s8], $0x5FFFF  }
0xad: {  	[dreg:$0x1] =	wrdreg $0xFFFFFFFF  }
0xae: {  	[dreg:$0x0] =	wrdreg $0x60  }
0xaf: {  	[dreg:$0x2] =	wrdreg s2  }
0xb0: {  	[dreg:$0x3] =	wrdreg s24  }
0xb1: {  	[dreg:$0x4] =	wrdreg s18  }
0xb2: {  	[dreg:$0x5] =	wrdreg $0x9  }
0xb3: {  	_ =	task.clear_ibuf [dreg:s8], $0x6FFFF;
	_ =	strace $0x90000046  }
0xb4: {  	s29 =	simm.s32 $0x9;
	_ =	strace $0x80000048  }
0xb5: {  	_ =	swait.ge [sflag:s29], $0x1  }
0xb6: {  	[sflag:s29] =	ssyncadd.s32 $0xFFFFFFFF  }
0xb7: {  	_ =	strace $0x90000048  }
0xb8: {  	_ =	sfence  }
0xb9: {  	s30 =	sld [smem:$0x0];
	_ =	sdelay $0x2  }
0xba: {  	s31 =	sshll.u32 s1, $0xD;
	s1 =	sshrl.u32 s1, $0x2  }
0xbb: {  	s3 =	sand.u32 $0x4000, s31;
	s1 =	sadd.s32 s1, s30  }
0xbc: {  	s0 =	sor.u32 s3, s0;
	s1 =	sshll.u32 s1, $0x11  }
0xbd: {  	s0 =	sor.u32 s1, s0  }
0xbe: {  	s0 =	sadd.s32 $0x8F2B, s0  }
0xbf: {  	[sflag:s0] =	ssyncadd.remote.s32 $0x1  }
0xc0: {  	_ =	sfence.sel $0xFFFF  }
0xc1: {  	[dreg:$0x0] =	wrdreg $0xFFFFFFFF;
	(pc) =	sbr.abs _section_cstart, $3  }
0xc2: {  	[dreg:$0x1] =	wrdreg $0xFFFFFFFF  }
0xc3: {  	_ =	task.clear_ibuf [dreg:s8], $0x2FFFF;
	_ =	strace $0x9FFFFFFF  }
0xc4: {  	(tm) =	ssettm $0x7FFFFFFF  }
0xc5: {  	_ =	shalt  }
tec
execute0_lowered:
.L_overlay_start_1:
0x0: {  	(tag) =	ssettag $0x1  }
0x1: {  	s4 =	rddreg [dreg:$0x0]  }
0x2: {  	s1 =	rddreg [dreg:$0x1]  }
0x3: {  	s5 =	rddreg [dreg:$0x2];
	v0 =	vimm.s32 $0xF  }
0x4: {  	s0 =	rddreg [dreg:$0x3];
	s6 =	srdreg.scid;
	v1 =	vimm.s32 $0x0;
	v2 =	vimm.s32 $0x1;
	vm0 =	vmmov $0x1  }
0x5: {  	s3 =	simm.s32 $0x0;
	s2 =	stileid.u32;
	v3 =	vimm.s32 $0x2;
	vm1 =	vmmov $0x3;
	v4 =	vimm.s32 $0x3;
	s10 =	simm.s32 $0x400  }
0x6: {  	vm2 =	vmmov $0x7;
	v5 =	vimm.s32 $0x4;
	vm3 =	vmmov $0xf;
	s11 =	simm.s32 $0x280;
	s12 =	simm.s32 $0xC00;
	s13 =	simm.s32 $0x300  }
0x7: {  	v6 =	vimm.s32 $0x5;
	vm4 =	vmmov $0x1f;
	v7 =	vimm.s32 $0x6;
	s14 =	simm.s32 $0x1400;
	s15 =	simm.s32 $0x380;
	s16 =	simm.s32 $0x1C00  }
0x8: {  	vm5 =	vmmov $0x3f;
	v8 =	vimm.s32 $0x7;
	vm6 =	vmmov $0x7f;
	s17 =	simm.s32 $0x1;
	s18 =	simm.s32 $0x2400;
	s19 =	simm.s32 $0x0  }
0x9: {  	v9 =	vimm.s32 $0x8;
	vm7 =	vmmov $0xff;
	v10 =	vimm.s32 $0x9;
	s6 =	sand.u32 $0x1, s6;
	s8 =	sshll.u32 s2, $0x7;
	[smem:$0x7FF] =	sst s3  }
0xa: {  	vm8 =	vmmov $0x1ff;
	v11 =	vimm.s32 $0xA;
	vm9 =	vmmov $0x3ff;
	s7 =	ssub.s32 $0x2, s6;
	s6 =	sshll.u32 s6, $0x6;
	_ =	strace $0x80000047  }
0xb: {  	v12 =	vimm.s32 $0xB;
	vm10 =	vmmov $0x7ff;
	v13 =	vimm.s32 $0xC;
	s9 =	sshrl.u32 s7, $0x1;
	s6 =	sor.u32 s6, s8;
	s8 =	simm.s32 $0x80  }
0xc: {  	vm11 =	vmmov $0xfff;
	v14 =	vimm.s32 $0xD;
	vm12 =	vmmov $0x1fff;
	s7 =	ssub.s32 s7, s9;
	s4 =	sadd.s32 s4, s6;
	s5 =	sadd.s32 s5, s6  }
0xd: {  	v15 =	vimm.s32 $0xE;
	vm13 =	vmmov $0x3fff;
	vm14 =	vmmov $0x7fff;
	s9 =	simm.s32 $0x200;
	s6 =	smax.u32 s7, $0x1;
	s7 =	simm.s32 $0x2  }
.LBB2_1:
0xe: {  	[tilespmem:s3], [sflag:$0x2] =	stream.linear.gather [hbm4b:s4+s3], $0x200, $0x38;
	[tilespmem:$0x2600] =	vst v63  }
0xf: {  	_ =	swait.ge [sflag:s7], $0x200  }
0x10: {  	[sflag:s7] =	ssyncset.done $0x0  }
0x11: {  	[sflag:s7] =	ssyncadd.s32 $0xFFFFFE00  }
0x12: {  	v16 =	vld [tilespmem:$0x0]  }
0x13: {  	v17 =	vld [tilespmem:$0x10]  }
0x14: {  	v18 =	vld [tilespmem:$0x20]  }
0x15: {  	v19 =	vld [tilespmem:$0x30]  }
0x16: {  	v20 =	vld [tilespmem:$0x40]  }
0x17: {  	v21 =	vld [tilespmem:$0x50];
	v16 =	vshrl.u32 v16, $0x4  }
0x18: {  	[tilespmem:$0x200] =	vst v16;
	v16 =	vshrl.u32 v17, $0x4;
	v17 =	vld [tilespmem:$0x60]  }
0x19: {  	[tilespmem:$0x210] =	vst v16;
	v16 =	vshrl.u32 v18, $0x4;
	v18 =	vld [tilespmem:$0x70]  }
0x1a: {  	[tilespmem:$0x220] =	vst v16;
	v16 =	vshrl.u32 v19, $0x4;
	v19 =	vld [tilespmem:$0x80]  }
0x1b: {  	v31 =	vld [tilespmem:$0x90];
	[tilespmem:$0x230] =	vst v16;
	v16 =	vshrl.u32 v20, $0x4  }
0x1c: {  	v32 =	vld [tilespmem:$0xA0];
	[tilespmem:$0x240] =	vst v16;
	v16 =	vshrl.u32 v21, $0x4  }
0x1d: {  	[tilespmem:$0x250] =	vst v16;
	v16 =	vshrl.u32 v17, $0x4;
	v17 =	vld [tilespmem:$0xB0]  }
0x1e: {  	[tilespmem:$0x260] =	vst v16;
	v16 =	vshrl.u32 v18, $0x4;
	v18 =	vld [tilespmem:$0xC0]  }
0x1f: {  	[tilespmem:$0x270] =	vst v16;
	v16 =	vshrl.u32 v19, $0x4;
	v19 =	vld [tilespmem:$0xD0]  }
0x20: {  	v33 =	vld [tilespmem:$0xE0];
	[tilespmem:$0x280] =	vst v16;
	v16 =	vshrl.u32 v31, $0x4  }
0x21: {  	v34 =	vld [tilespmem:$0xF0];
	[tilespmem:$0x290] =	vst v16;
	v16 =	vshrl.u32 v32, $0x4  }
0x22: {  	[tilespmem:$0x2A0] =	vst v16;
	v16 =	vshrl.u32 v17, $0x4;
	v17 =	vld [tilespmem:$0x100]  }
0x23: {  	[tilespmem:$0x2B0] =	vst v16;
	v16 =	vshrl.u32 v18, $0x4;
	v18 =	vld [tilespmem:$0x110]  }
0x24: {  	[tilespmem:$0x2C0] =	vst v16;
	v16 =	vshrl.u32 v19, $0x4;
	v19 =	vld [tilespmem:$0x120]  }
0x25: {  	v35 =	vld [tilespmem:$0x130];
	[tilespmem:$0x2D0] =	vst v16;
	v16 =	vshrl.u32 v33, $0x4  }
0x26: {  	v36 =	vld [tilespmem:$0x140];
	[tilespmem:$0x2E0] =	vst v16;
	v16 =	vshrl.u32 v34, $0x4  }
0x27: {  	[tilespmem:$0x2F0] =	vst v16;
	v16 =	vshrl.u32 v17, $0x4;
	v17 =	vld [tilespmem:$0x150]  }
0x28: {  	[tilespmem:$0x300] =	vst v16;
	v16 =	vshrl.u32 v18, $0x4;
	v18 =	vld [tilespmem:$0x160]  }
0x29: {  	[tilespmem:$0x310] =	vst v16;
	v16 =	vshrl.u32 v19, $0x4;
	v19 =	vld [tilespmem:$0x170]  }
0x2a: {  	v37 =	vld [tilespmem:$0x180];
	[tilespmem:$0x320] =	vst v16;
	v16 =	vshrl.u32 v35, $0x4  }
0x2b: {  	v38 =	vld [tilespmem:$0x190];
	[tilespmem:$0x330] =	vst v16;
	v16 =	vshrl.u32 v36, $0x4  }
0x2c: {  	[tilespmem:$0x340] =	vst v16;
	v16 =	vshrl.u32 v17, $0x4;
	v17 =	vld [tilespmem:$0x1A0]  }
0x2d: {  	[tilespmem:$0x350] =	vst v16;
	v16 =	vshrl.u32 v18, $0x4;
	v18 =	vld [tilespmem:$0x1B0]  }
0x2e: {  	[tilespmem:$0x360] =	vst v16;
	v16 =	vshrl.u32 v19, $0x4;
	v19 =	vld [tilespmem:$0x1C0]  }
0x2f: {  	v39 =	vld [tilespmem:$0x1D0];
	[tilespmem:$0x370] =	vst v16;
	v16 =	vshrl.u32 v37, $0x4  }
0x30: {  	v40 =	vld [tilespmem:$0x1E0];
	[tilespmem:$0x380] =	vst v16;
	v16 =	vshrl.u32 v38, $0x4  }
0x31: {  	[tilespmem:$0x390] =	vst v16;
	v16 =	vshrl.u32 v17, $0x4;
	v17 =	vld [tilespmem:$0x1F0]  }
0x32: {  	[tilespmem:$0x3A0] =	vst v16;
	v16 =	vshrl.u32 v18, $0x4  }
0x33: {  	[tilespmem:$0x3B0] =	vst v16;
	v16 =	vshrl.u32 v19, $0x4  }
0x34: {  	[tilespmem:$0x3C0] =	vst v16;
	v16 =	vshrl.u32 v39, $0x4  }
0x35: {  	[tilespmem:$0x3D0] =	vst v16;
	v16 =	vshrl.u32 v40, $0x4  }
0x36: {  	[tilespmem:$0x3E0] =	vst v16;
	v16 =	vshrl.u32 v17, $0x4  }
0x37: {  	[tilespmem:$0x3F0] =	vst v16  }
0x38: {  	[tilespmem:s10], [sflag:$0x1] =	stream.indirect.gather [hbm4b:s1+s8], $0x10, s9, s8, $0xb8;
	[tilespmem:$0x2600] =	vst v63  }
0x39: {  	_ = 	snop  }
0x3a: {  	[tilespmem:s12], [sflag:$0x1] =	stream.indirect.gather [hbm4b:s1+s8], $0x10, s11, s8, $0xb8;
	[tilespmem:$0x2600] =	vst v63  }
0x3b: {  	_ = 	snop  }
0x3c: {  	[tilespmem:s14], [sflag:$0x1] =	stream.indirect.gather [hbm4b:s1+s8], $0x10, s13, s8, $0xb8;
	[tilespmem:$0x2600] =	vst v63  }
0x3d: {  	_ = 	snop  }
0x3e: {  	[tilespmem:s16], [sflag:$0x1] =	stream.indirect.gather [hbm4b:s1+s8], $0x10, s15, s8, $0xb8;
	[tilespmem:$0x2600] =	vst v63  }
0x3f: {  	_ =	swait.ge [sflag:s17], $0x800  }
0x40: {  	[sflag:s17] =	ssyncset.done $0x0  }
0x41: {  	[sflag:s17] =	ssyncadd.s32 $0xFFFFF800  }
0x42: {  	_ =	swait.ge [sflag:s17], $0x800  }
0x43: {  	[sflag:s17] =	ssyncset.done $0x0  }
0x44: {  	[sflag:s17] =	ssyncadd.s32 $0xFFFFF800  }
0x45: {  	_ =	swait.ge [sflag:s17], $0x800  }
0x46: {  	[sflag:s17] =	ssyncset.done $0x0  }
0x47: {  	[sflag:s17] =	ssyncadd.s32 $0xFFFFF800  }
0x48: {  	s20 =	sand.u32 $0x600, s3;
	_ =	swait.ge [sflag:s17], $0x800  }
0x49: {  	s21 =	sand.u32 $0x70, s3;
	s20 =	sshrl.u32 s20, $0x2;
	[sflag:s17] =	ssyncset.done $0x0  }
0x4a: {  	s20 =	sor.u32 s21, s20;
	[sflag:s17] =	ssyncadd.s32 $0xFFFFF800  }
0x4b: {  	v16 =	vld [tilespmem:s20+$0x0]  }
0x4c: {  	s21 =	simm.s32 $0x480  }
0x4d: {  	v17 =	vld [tilespmem:s21+$0xFFFFFF80]  }
0x4e: {  	v18 =	vld [tilespmem:s21+$0xFFFFFF90]  }
0x4f: {  	v19 =	vld [tilespmem:s21+$0xFFFFFFA0]  }
0x50: {  	v41 =	vld [tilespmem:s21+$0xFFFFFFB0];
	v16 =	vand.u32 $0xF, v16  }
0x51: {  	v23 =	vld [tilespmem:s21+$0xFFFFFFC0];
	v42 =	vperm.xlane v16, v1;
	v22 =	vperm.xlane v16, v2  }
0x52: {  	v26 =	vld [tilespmem:s21+$0xFFFFFFD0];
	v24 =	vperm.xlane v16, v3;
	v25 =	vperm.xlane v16, v4  }
0x53: {  	v43 =	vld [tilespmem:s21+$0xFFFFFFE0];
	v17 =	vperm.xlane v17, v42;
	v18 =	vperm.xlane v18, v22  }
0x54: {  	v45 =	vld [tilespmem:s21+$0xFFFFFFF0];
	v44 =	vperm.xlane v16, v5;
	v19 =	vperm.xlane v19, v24  }
0x55: {  	v47 =	vld [tilespmem:s21+$0x0];
	v46 =	vperm.xlane v16, v6;
	v17 =	vsel vm0, v17, v18;
	v18 =	vperm.xlane v41, v25  }
0x56: {  	v49 =	vld [tilespmem:s21+$0x10];
	v48 =	vperm.xlane v16, v7;
	v17 =	vsel vm1, v17, v19;
	v19 =	vperm.xlane v23, v44  }
0x57: {  	v51 =	vld [tilespmem:s21+$0x20];
	v50 =	vperm.xlane v16, v8;
	v17 =	vsel vm2, v17, v18;
	v18 =	vperm.xlane v26, v46  }
0x58: {  	v53 =	vld [tilespmem:s21+$0x30];
	v52 =	vperm.xlane v16, v9;
	v17 =	vsel vm3, v17, v19;
	v19 =	vperm.xlane v43, v48  }
0x59: {  	v55 =	vld [tilespmem:s21+$0x40];
	v54 =	vperm.xlane v16, v10;
	v17 =	vsel vm4, v17, v18;
	v18 =	vperm.xlane v45, v50  }
0x5a: {  	v57 =	vld [tilespmem:s21+$0x50];
	v56 =	vperm.xlane v16, v11;
	v17 =	vsel vm5, v17, v19;
	v19 =	vperm.xlane v47, v52  }
0x5b: {  	v59 =	vld [tilespmem:s21+$0x60];
	v58 =	vperm.xlane v16, v12;
	v17 =	vsel vm6, v17, v18;
	v18 =	vperm.xlane v49, v54  }
0x5c: {  	v61 =	vld [tilespmem:s21+$0x70];
	v60 =	vperm.xlane v16, v13;
	v17 =	vsel vm7, v17, v19;
	v19 =	vperm.xlane v51, v56  }
0x5d: {  	v62 =	vperm.xlane v16, v14;
	v17 =	vsel vm8, v17, v18;
	v18 =	vperm.xlane v53, v58  }
0x5e: {  	v63 =	vperm.xlane v16, v15;
	v17 =	vsel vm9, v17, v19;
	v19 =	vperm.xlane v55, v60  }
0x5f: {  	v16 =	vperm.xlane v16, v0;
	v17 =	vsel vm10, v17, v18;
	v18 =	vperm.xlane v57, v62  }
0x60: {  	v17 =	vsel vm11, v17, v19;
	v19 =	vperm.xlane v59, v63  }
0x61: {  	s22 =	simm.s32 $0x10;
	s20 =	simm.s32 $0x40;
	v16 =	vperm.xlane v61, v16;
	v17 =	vsel vm12, v17, v18  }
0x62: {  	s23 =	simm.s32 $0x80;
	s24 =	simm.s32 $0x0;
	s25 =	sand.u32 $0x600, s20;
	v17 =	vsel vm13, v17, v19  }
.LBB2_2:
0x63: {  	p0 =	sne.s32 s23, $0x7C0;
	s26 =	sand.u32 $0x70, s22;
	s25 =	sshrl.u32 s25, $0x2;
	v16 =	vsel vm14, v17, v16  }
0x64: {  	s25 =	sor.u32 s26, s25;
	[tilespmem:s24+$0x2400] =	vst v16;
	s24 =	smov.u32 s20;
	s20 =	smov.u32 s23  }
0x65: {  	v16 =	vld [tilespmem:s25+$0x0]  }
0x66: {  	s21 =	sadd.s32 $0x100, s21  }
0x67: {  	v17 =	vld [tilespmem:s21+$0xFFFFFF80]  }
0x68: {  	v18 =	vld [tilespmem:s21+$0xFFFFFF90]  }
0x69: {  	v19 =	vld [tilespmem:s21+$0xFFFFFFA0]  }
0x6a: {  	v16 =	vand.u32 $0xF, v16;
	v20 =	vld [tilespmem:s21+$0xFFFFFFB0]  }
0x6b: {  	v21 =	vperm.xlane v16, v1;
	v22 =	vperm.xlane v16, v2;
	v23 =	vld [tilespmem:s21+$0xFFFFFFC0]  }
0x6c: {  	v24 =	vperm.xlane v16, v3;
	v25 =	vperm.xlane v16, v4;
	v26 =	vld [tilespmem:s21+$0xFFFFFFD0]  }
0x6d: {  	v17 =	vperm.xlane v17, v21;
	v18 =	vperm.xlane v18, v22;
	v21 =	vld [tilespmem:s21+$0xFFFFFFE0]  }
0x6e: {  	v22 =	vperm.xlane v16, v5;
	v19 =	vperm.xlane v19, v24;
	v24 =	vld [tilespmem:s21+$0xFFFFFFF0]  }
0x6f: {  	v17 =	vsel vm0, v17, v18;
	v18 =	vperm.xlane v20, v25;
	v20 =	vperm.xlane v16, v6;
	v25 =	vld [tilespmem:s21+$0x0]  }
0x70: {  	v17 =	vsel vm1, v17, v19;
	v19 =	vperm.xlane v23, v22;
	v22 =	vperm.xlane v16, v7;
	v23 =	vld [tilespmem:s21+$0x10]  }
0x71: {  	v17 =	vsel vm2, v17, v18;
	v18 =	vperm.xlane v26, v20;
	v20 =	vperm.xlane v16, v8;
	v26 =	vld [tilespmem:s21+$0x20]  }
0x72: {  	v17 =	vsel vm3, v17, v19;
	v19 =	vperm.xlane v21, v22;
	v21 =	vperm.xlane v16, v9;
	v22 =	vld [tilespmem:s21+$0x30]  }
0x73: {  	v17 =	vsel vm4, v17, v18;
	v18 =	vperm.xlane v24, v20;
	v20 =	vperm.xlane v16, v10;
	v24 =	vld [tilespmem:s21+$0x40]  }
0x74: {  	v17 =	vsel vm5, v17, v19;
	v19 =	vperm.xlane v25, v21;
	v21 =	vperm.xlane v16, v11;
	v25 =	vld [tilespmem:s21+$0x50]  }
0x75: {  	v17 =	vsel vm6, v17, v18;
	v18 =	vperm.xlane v23, v20;
	v20 =	vperm.xlane v16, v12;
	v23 =	vld [tilespmem:s21+$0x60]  }
0x76: {  	v17 =	vsel vm7, v17, v19;
	v19 =	vperm.xlane v26, v21;
	v21 =	vperm.xlane v16, v13;
	v26 =	vld [tilespmem:s21+$0x70]  }
0x77: {  	v17 =	vsel vm8, v17, v18;
	v18 =	vperm.xlane v22, v20;
	v20 =	vperm.xlane v16, v14  }
.Ltmp0:
0x78: {  	v17 =	vsel vm9, v17, v19;
	v19 =	vperm.xlane v24, v21;
	v21 =	vperm.xlane v16, v15;
	(pc) =	sbr.rel @p0 .LBB2_2-.Ltmp0, $4  }
0x79: {  	v16 =	vperm.xlane v16, v0;
	v17 =	vsel vm10, v17, v18;
	v18 =	vperm.xlane v25, v20  }
0x7a: {  	v17 =	vsel vm11, v17, v19;
	v19 =	vperm.xlane v23, v21  }
0x7b: {  	s22 =	sadd.s32 $0x10, s22;
	v17 =	vsel vm12, v17, v18;
	v16 =	vperm.xlane v26, v16  }
0x7c: {  	s23 =	sadd.s32 $0x40, s23;
	s25 =	sand.u32 $0x600, s20;
	s24 =	sshra.s32 s24, $0x2;
	v17 =	vsel vm13, v17, v19  }
0x7d: {  	s22 =	sand.u32 $0x70, s22;
	s23 =	sshrl.u32 s25, $0x2;
	v16 =	vsel vm14, v17, v16  }
0x7e: {  	s22 =	sor.u32 s22, s23;
	[tilespmem:s24+$0x2400] =	vst v16  }
0x7f: {  	v16 =	vld [tilespmem:s22+$0x0]  }
0x80: {  	s21 =	sadd.s32 $0x100, s21  }
0x81: {  	v17 =	vld [tilespmem:s21+$0xFFFFFF80]  }
0x82: {  	v18 =	vld [tilespmem:s21+$0xFFFFFF90]  }
0x83: {  	v19 =	vld [tilespmem:s21+$0xFFFFFFA0]  }
0x84: {  	v20 =	vld [tilespmem:s21+$0xFFFFFFB0];
	v16 =	vand.u32 $0xF, v16  }
0x85: {  	v23 =	vld [tilespmem:s21+$0xFFFFFFC0];
	v21 =	vperm.xlane v16, v1;
	v22 =	vperm.xlane v16, v2  }
0x86: {  	v26 =	vld [tilespmem:s21+$0xFFFFFFD0];
	v24 =	vperm.xlane v16, v3;
	v25 =	vperm.xlane v16, v4  }
0x87: {  	v31 =	vld [tilespmem:s21+$0xFFFFFFE0];
	v17 =	vperm.xlane v17, v21;
	v18 =	vperm.xlane v18, v22  }
0x88: {  	v33 =	vld [tilespmem:s21+$0xFFFFFFF0];
	v32 =	vperm.xlane v16, v5;
	v19 =	vperm.xlane v19, v24  }
0x89: {  	v36 =	vld [tilespmem:s21+$0x0];
	v35 =	vperm.xlane v16, v6;
	v34 =	vperm.xlane v20, v25;
	v17 =	vsel vm0, v17, v18  }
0x8a: {  	v39 =	vld [tilespmem:s21+$0x10];
	v38 =	vperm.xlane v16, v7;
	v37 =	vperm.xlane v23, v32;
	v17 =	vsel vm1, v17, v19  }
0x8b: {  	v42 =	vld [tilespmem:s21+$0x20];
	v41 =	vperm.xlane v16, v8;
	v40 =	vperm.xlane v26, v35;
	v17 =	vsel vm2, v17, v34  }
0x8c: {  	v45 =	vld [tilespmem:s21+$0x30];
	v44 =	vperm.xlane v16, v9;
	v43 =	vperm.xlane v31, v38;
	v17 =	vsel vm3, v17, v37  }
0x8d: {  	v48 =	vld [tilespmem:s21+$0x40];
	v47 =	vperm.xlane v16, v10;
	v46 =	vperm.xlane v33, v41;
	v17 =	vsel vm4, v17, v40  }
0x8e: {  	v51 =	vld [tilespmem:s21+$0x50];
	v50 =	vperm.xlane v16, v11;
	v49 =	vperm.xlane v36, v44;
	v17 =	vsel vm5, v17, v43  }
0x8f: {  	v54 =	vld [tilespmem:s21+$0x60];
	v53 =	vperm.xlane v16, v12;
	v52 =	vperm.xlane v39, v47;
	v17 =	vsel vm6, v17, v46  }
0x90: {  	v57 =	vld [tilespmem:s21+$0x70];
	v56 =	vperm.xlane v16, v13;
	v55 =	vperm.xlane v42, v50;
	v17 =	vsel vm7, v17, v49  }
0x91: {  	v59 =	vperm.xlane v16, v14;
	v58 =	vperm.xlane v45, v53;
	v17 =	vsel vm8, v17, v52  }
0x92: {  	v61 =	vperm.xlane v16, v15;
	v60 =	vperm.xlane v48, v56;
	v17 =	vsel vm9, v17, v55  }
0x93: {  	v16 =	vperm.xlane v16, v0;
	v62 =	vperm.xlane v51, v59;
	v17 =	vsel vm10, v17, v58  }
0x94: {  	v63 =	vperm.xlane v54, v61;
	v17 =	vsel vm11, v17, v60  }
0x95: {  	v16 =	vperm.xlane v57, v16;
	v17 =	vsel vm12, v17, v62  }
0x96: {  	s19 =	sadd.s32 $0x1, s19;
	v17 =	vsel vm13, v17, v63  }
0x97: {  	s20 =	sshra.s32 s20, $0x2;
	p0 =	sne.s32 s19, s6;
	v16 =	vsel vm14, v17, v16  }
.Ltmp1:
0x98: {  	[tilespmem:s20+$0x2400] =	vst v16;
	(pc) =	sbr.rel @p0 .LBB2_1-.Ltmp1, $4  }
0x99: {  	[hbm4b:s5+s3] =	stream.linear.scatter [tilespmem:s18], [sflag:$0x2], $0x200, $0x38;
	[tilespmem:$0x2600] =	vst v63  }
0x9a: {  	_ =	swait.ge [sflag:s7], $0x200  }
0x9b: {  	[sflag:s7] =	ssyncset.done $0x0  }
0x9c: {  	[sflag:s7] =	ssyncadd.s32 $0xFFFFFE00  }
0x9d: {  	_ =	sfence.sel $0x180000  }
0x9e: {  	[bflag:$0x0] =	sbarrier.arrive $0xFFFF  }
0x9f: {  	p0 =	sne.s32 s2, $0x0;
	_ =	strace $0x90000047  }
0xa0: {  	s0 =	sadd.s32 @!p0 $0x100000, s0;
	[bflag:$0x2] =	sbarrier.arrive $0xFFFF  }
0xa1: {  	[sflag:s0] =	ssyncadd.tile.s32 @!p0 $0x1;
	_ =	shalt  }
.Lfunc_end2:
_tile_overlayer_lowered:
.L_overlay_start_2:
0xa2: {  	(tag) =	ssettag $0x2  }
0xa3: {  	s0 =	rddreg [dreg:$0x0];
	s2 =	stileid.u32  }
0xa4: {  	s1 =	rddreg [dreg:$0x1];
	p0 =	sne.s32 s2, $0x0  }
0xa5: {  	s3 =	rddreg [dreg:$0x2];
	[bflag:$0x3] =	sbarrier.arrive $0xFFFF;
	s2 =	simm.s32 @!p0 $0x1C02  }
0xa6: {  	[timem:s3], [sflag:s2] =	dma.local @!p0 [hbm:s0], s1  }
0xa7: {  	s0 =	simm.s32 @!p0 $0x2  }
0xa8: {  	_ =	swait.ge @!p0 [sflag:s0], s1  }
0xa9: {  	s1 =	ssub.s32 @!p0 $0x0, s1;
	[sflag:s0] =	ssyncset.done @!p0 $0x0  }
0xaa: {  	[sflag:s0] =	ssyncadd.s32 @!p0 s1  }
0xab: {  	[bflag:$0x3] =	sbarrier.arrive $0xFFFF  }
0xac: {  	_ =	shalt  }

</sc_bundles>
